<compile_context>
chip_gen: v7x
topology: tpu7x:2x2x1
jax: 0.10.2.dev20260603
libtpu: 0.0.44.dev20260713+nightly
codegen_flags: <defaults>
</compile_context>

<pallas_src>
import functools

import jax
import jax.numpy as jnp
from jax import lax
from jax.experimental import pallas as pl
from jax.experimental.pallas import tpu as pltpu
from jax.experimental.pallas import tpu_sc as plsc

B = 16384
EMB = 128
HID = 256
CHUNK = 128


def _sc_gather(users_r, movies_r, user_table, movie_table):
    info = plsc.get_sparse_core_info()
    nc, ns = info.num_cores, info.num_subcores
    nw = nc * ns
    n_rows = users_r.shape[0]
    bs = n_rows * CHUNK
    rows_per_w = n_rows // nw

    mesh = plsc.VectorSubcoreMesh(core_axis_name="c", subcore_axis_name="s")

    n_chunks = 2 * rows_per_w
    n_bufs = min(n_chunks, 6)

    @functools.partial(
        pl.kernel,
        mesh=mesh,
        out_type=(
            jax.ShapeDtypeStruct((bs, EMB), jnp.float32),
            jax.ShapeDtypeStruct((bs, EMB), jnp.float32),
        ),
        scratch_types=[
            pltpu.VMEM((n_chunks, CHUNK), jnp.int32),
            pltpu.VMEM((n_bufs, CHUNK, EMB), jnp.float32),
            pltpu.SemaphoreType.DMA,
            pltpu.SemaphoreType.DMA,
        ],
    )
    def gather_k(u_idx_hbm, m_idx_hbm, utab_hbm, mtab_hbm,
                 u_out_hbm, m_out_hbm, idx_v, bufs, sem_g, sem_o):
        wid = lax.axis_index("s") * nc + lax.axis_index("c")
        base = wid * rows_per_w
        pltpu.sync_copy(u_idx_hbm.at[pl.ds(base, rows_per_w)],
                        idx_v.at[pl.ds(0, rows_per_w)])
        pltpu.sync_copy(m_idx_hbm.at[pl.ds(base, rows_per_w)],
                        idx_v.at[pl.ds(rows_per_w, rows_per_w)])

        def fire(k):
            tab = utab_hbm if k < rows_per_w else mtab_hbm
            return pltpu.async_copy(tab.at[idx_v.at[k]], bufs.at[k % n_bufs],
                                    sem_g)

        def out_copy(k):
            if k < rows_per_w:
                dst = u_out_hbm.at[pl.ds((base + k) * CHUNK, CHUNK)]
            else:
                dst = m_out_hbm.at[pl.ds((base + k - rows_per_w) * CHUNK,
                                         CHUNK)]
            return pltpu.async_copy(bufs.at[k % n_bufs], dst, sem_o)

        gathers = [fire(k) for k in range(n_bufs)]
        outs = []
        for k in range(n_chunks):
            gathers[k].wait()
            outs.append(out_copy(k))
            if k + n_bufs < n_chunks:
                outs[k].wait()
                gathers.append(fire(k + n_bufs))
        for k in range(max(0, n_chunks - n_bufs), n_chunks):
            outs[k].wait()

    return gather_k(users_r, movies_r, user_table, movie_table)


def _mlp_body(u_ref, m_ref, w1_ref, b1_ref, w2_ref, b2_ref, out_ref):
    c16 = jnp.concatenate(
        [u_ref[...].astype(jnp.bfloat16), m_ref[...].astype(jnp.bfloat16)],
        axis=1)
    x = jnp.dot(c16, w1_ref[...], preferred_element_type=jnp.float32) + b1_ref[...]
    x = jnp.maximum(x, 0.0)
    y = lax.dot_general(w2_ref[...], x.astype(jnp.bfloat16),
                        (((1,), (1,)), ((), ())),
                        preferred_element_type=jnp.float32)
    out_ref[...] = y + b2_ref[...]


def _tc_mlp(u_emb, m_emb, W1, b1, W2, b2):
    BK = 2048
    bs = u_emb.shape[0]
    grid = (bs // BK,)
    w1_16 = W1.astype(jnp.bfloat16)
    b1r = b1.reshape(1, HID)
    b2r = b2.reshape(1, 1)
    w2_16 = W2.reshape(1, HID).astype(jnp.bfloat16)
    return pl.pallas_call(
        _mlp_body,
        grid=grid,
        in_specs=[
            pl.BlockSpec((BK, EMB), lambda i: (i, 0)),
            pl.BlockSpec((BK, EMB), lambda i: (i, 0)),
            pl.BlockSpec((2 * EMB, HID), lambda i: (0, 0)),
            pl.BlockSpec((1, HID), lambda i: (0, 0)),
            pl.BlockSpec((1, HID), lambda i: (0, 0)),
            pl.BlockSpec((1, 1), lambda i: (0, 0)),
        ],
        out_specs=pl.BlockSpec((1, BK), lambda i: (0, i)),
        out_shape=jax.ShapeDtypeStruct((1, bs), jnp.float32),
    )(u_emb, m_emb, w1_16, b1r, w2_16, b2r)


def kernel(users, movies, user_table, movie_table, W1, b1, W2, b2):
    users_r = users.reshape(B // CHUNK, CHUNK)
    movies_r = movies.reshape(B // CHUNK, CHUNK)
    u_emb, m_emb = _sc_gather(users_r, movies_r, user_table, movie_table)
    return _tc_mlp(u_emb, m_emb, W1, b1, W2, b2).reshape(B, 1)

# --- scband reference (transcript-rebuilt; emitter-appended) ---
"""Pipeline reference for scband-recommendation-model-31215822308072 (READ-ONLY COPY).

The authoritative reference and input builder live on the scoring server;
editing this copy changes nothing except your own understanding.
"""

import jax, jax.numpy as jnp
import numpy as np

B = 16384
NUM_USERS = 1000000
NUM_MOVIES = 1000000
EMB = 128
HID = 256

def setup_inputs(seed: int = 0) -> dict:
    key = jax.random.key(seed)
    k1, k2, k3, k4, k5, k6, k7, k8 = jax.random.split(key, 8)
    users = jax.random.randint(k1, (B,), 0, NUM_USERS, dtype=jnp.int64 if jax.config.jax_enable_x64 else jnp.int32).astype(jnp.int32)
    movies = jax.random.randint(k2, (B,), 0, NUM_MOVIES, dtype=jnp.int32)
    user_table = jax.random.normal(k3, (NUM_USERS, EMB), dtype=jnp.float32)
    movie_table = jax.random.normal(k4, (NUM_MOVIES, EMB), dtype=jnp.float32)
    W1 = jax.random.normal(k5, (2 * EMB, HID), dtype=jnp.float32) * (1.0 / np.sqrt(2 * EMB))
    b1 = jnp.zeros((HID,), dtype=jnp.float32)
    W2 = jax.random.normal(k6, (HID, 1), dtype=jnp.float32) * (1.0 / np.sqrt(HID))
    b2 = jnp.zeros((1,), dtype=jnp.float32)
    return {"users": users, "movies": movies, "user_table": user_table,
            "movie_table": movie_table, "W1": W1, "b1": b1, "W2": W2, "b2": b2}

def reference(users, movies, user_table, movie_table, W1, b1, W2, b2):
    user_embedded = jnp.take(user_table, users, axis=0)
    movie_embedded = jnp.take(movie_table, movies, axis=0)
    combined = jnp.concatenate([user_embedded, movie_embedded], axis=1)
    x = jax.nn.relu(combined @ W1 + b1)
    # dropout is identity in eval mode
    output = x @ W2 + b2
    return output

if __name__ == "__main__":
    import jax
    _d = setup_inputs()
    print(jax.jit(kernel)(*tuple(_d.values())))

</pallas_src>

<mosaic_0001>
#map = affine_map<(d0, d1) -> (0, 0)>
module attributes {stable_mosaic.version = 14 : i64} {
  func.func @gather_k(%arg0: i32, %arg1: i32, %arg2: memref<128x128xi32, #tpu.memory_space<hbm>>, %arg3: memref<128x128xi32, #tpu.memory_space<hbm>>, %arg4: memref<1000000x128xf32, #tpu.memory_space<hbm>>, %arg5: memref<1000000x128xf32, #tpu.memory_space<hbm>>, %arg6: memref<16384x128xf32, #tpu.memory_space<hbm>>, %arg7: memref<16384x128xf32, #tpu.memory_space<hbm>>, %arg8: memref<8x128xi32, #tpu.memory_space<vmem>>, %arg9: memref<6x128x128xf32, #tpu.memory_space<vmem>>, %arg10: memref<!tpu.dma_semaphore, #tpu.memory_space<semaphore_mem>>, %arg11: memref<!tpu.dma_semaphore, #tpu.memory_space<semaphore_mem>>) attributes {dimension_semantics = [#tpu.dimension_semantics<core_parallel>, #tpu.dimension_semantics<subcore_parallel>], iteration_bounds = array<i64: 2, 16>, scalar_prefetch = 0 : i64, scratch_operands = 4 : i64, tpu.core_type = #tpu.core_type<sc_vector_subcore>, window_params = [{transform_indices = #map}, {transform_indices = #map}, {transform_indices = #map}, {transform_indices = #map}, {transform_indices = #map}, {transform_indices = #map}]} {
    %mul3A = arith.constant 2 : i32
    %mul3A_0 = arith.muli %arg1, %mul3A : i32
    %add3A = arith.addi %mul3A_0, %arg0 : i32
    %mul3A_1 = arith.constant 4 : i32
    %mul3A_2 = arith.muli %add3A, %mul3A_1 : i32
    "tpu.region"() ({
      %run_scoped3A = tpu.sem_alloc : memref<!tpu.dma_semaphore, #tpu.memory_space<semaphore_mem>>
      %dma_start3A_440 = arith.constant 0 : i32
      %dma_start3A_441 = arith.constant 0 : i32
      %dma_start3A_442 = tpu.memref_slice %arg8[%dma_start3A_440, %dma_start3A_441] : memref<8x128xi32, #tpu.memory_space<vmem>> -> memref<4x128xi32, #tpu.memory_space<vmem>>
      %dma_start3A_443 = arith.constant 0 : i32
      %dma_start3A_444 = tpu.memref_slice %arg2[%mul3A_2, %dma_start3A_443] : memref<128x128xi32, #tpu.memory_space<hbm>> -> memref<4x128xi32, #tpu.memory_space<hbm>>
      %dma_start3A_445 = arith.constant 0 : i32
      %dma_start3A_446 = arith.constant 0 : i32
      %dma_start3A_447 = tpu.memref_slice %arg8[%dma_start3A_445, %dma_start3A_446] : memref<8x128xi32, #tpu.memory_space<vmem>> -> memref<4x128xi32, #tpu.memory_space<vmem>>
      %dma_start3A_448 = arith.constant 0 : i32
      %dma_start3A_449 = tpu.memref_slice %arg2[%mul3A_2, %dma_start3A_448] : memref<128x128xi32, #tpu.memory_space<hbm>> -> memref<4x128xi32, #tpu.memory_space<hbm>>
      tpu.enqueue_dma source(%dma_start3A_449 : memref<4x128xi32, #tpu.memory_space<hbm>>) target(%dma_start3A_447 : memref<4x128xi32, #tpu.memory_space<vmem>>) target_semaphore(%run_scoped3A : memref<!tpu.dma_semaphore, #tpu.memory_space<semaphore_mem>>)
      %dma_wait3A_450 = arith.constant 0 : i32
      %dma_wait3A_451 = arith.constant 0 : i32
      %dma_wait3A_452 = tpu.memref_slice %arg8[%dma_wait3A_450, %dma_wait3A_451] : memref<8x128xi32, #tpu.memory_space<vmem>> -> memref<4x128xi32, #tpu.memory_space<vmem>>
      %dma_wait3A_453 = arith.constant 0 : i32
      %dma_wait3A_454 = tpu.memref_slice %arg2[%mul3A_2, %dma_wait3A_453] : memref<128x128xi32, #tpu.memory_space<hbm>> -> memref<4x128xi32, #tpu.memory_space<hbm>>
      %dma_wait3A_455 = arith.constant 0 : i32
      %dma_wait3A_456 = arith.constant 0 : i32
      %dma_wait3A_457 = tpu.memref_slice %arg8[%dma_wait3A_455, %dma_wait3A_456] : memref<8x128xi32, #tpu.memory_space<vmem>> -> memref<4x128xi32, #tpu.memory_space<vmem>>
      %dma_wait3A_458 = arith.constant 0 : i32
      %dma_wait3A_459 = tpu.memref_slice %arg2[%mul3A_2, %dma_wait3A_458] : memref<128x128xi32, #tpu.memory_space<hbm>> -> memref<4x128xi32, #tpu.memory_space<hbm>>
      tpu.wait_dma2 semaphore(%run_scoped3A : memref<!tpu.dma_semaphore, #tpu.memory_space<semaphore_mem>>) src(%dma_wait3A_459 : memref<4x128xi32, #tpu.memory_space<hbm>>) dst(%dma_wait3A_457 : memref<4x128xi32, #tpu.memory_space<vmem>>)
      tpu.yield
    }) : () -> ()
    "tpu.region"() ({
      %run_scoped3A = tpu.sem_alloc : memref<!tpu.dma_semaphore, #tpu.memory_space<semaphore_mem>>
      %dma_start3A_440 = arith.constant 4 : i32
      %dma_start3A_441 = arith.constant 0 : i32
      %dma_start3A_442 = tpu.memref_slice %arg8[%dma_start3A_440, %dma_start3A_441] : memref<8x128xi32, #tpu.memory_space<vmem>> -> memref<4x128xi32, #tpu.memory_space<vmem>>
      %dma_start3A_443 = arith.constant 0 : i32
      %dma_start3A_444 = tpu.memref_slice %arg3[%mul3A_2, %dma_start3A_443] : memref<128x128xi32, #tpu.memory_space<hbm>> -> memref<4x128xi32, #tpu.memory_space<hbm>>
      %dma_start3A_445 = arith.constant 4 : i32
      %dma_start3A_446 = arith.constant 0 : i32
      %dma_start3A_447 = tpu.memref_slice %arg8[%dma_start3A_445, %dma_start3A_446] : memref<8x128xi32, #tpu.memory_space<vmem>> -> memref<4x128xi32, #tpu.memory_space<vmem>>
      %dma_start3A_448 = arith.constant 0 : i32
      %dma_start3A_449 = tpu.memref_slice %arg3[%mul3A_2, %dma_start3A_448] : memref<128x128xi32, #tpu.memory_space<hbm>> -> memref<4x128xi32, #tpu.memory_space<hbm>>
      tpu.enqueue_dma source(%dma_start3A_449 : memref<4x128xi32, #tpu.memory_space<hbm>>) target(%dma_start3A_447 : memref<4x128xi32, #tpu.memory_space<vmem>>) target_semaphore(%run_scoped3A : memref<!tpu.dma_semaphore, #tpu.memory_space<semaphore_mem>>)
      %dma_wait3A_450 = arith.constant 4 : i32
      %dma_wait3A_451 = arith.constant 0 : i32
      %dma_wait3A_452 = tpu.memref_slice %arg8[%dma_wait3A_450, %dma_wait3A_451] : memref<8x128xi32, #tpu.memory_space<vmem>> -> memref<4x128xi32, #tpu.memory_space<vmem>>
      %dma_wait3A_453 = arith.constant 0 : i32
      %dma_wait3A_454 = tpu.memref_slice %arg3[%mul3A_2, %dma_wait3A_453] : memref<128x128xi32, #tpu.memory_space<hbm>> -> memref<4x128xi32, #tpu.memory_space<hbm>>
      %dma_wait3A_455 = arith.constant 4 : i32
      %dma_wait3A_456 = arith.constant 0 : i32
      %dma_wait3A_457 = tpu.memref_slice %arg8[%dma_wait3A_455, %dma_wait3A_456] : memref<8x128xi32, #tpu.memory_space<vmem>> -> memref<4x128xi32, #tpu.memory_space<vmem>>
      %dma_wait3A_458 = arith.constant 0 : i32
      %dma_wait3A_459 = tpu.memref_slice %arg3[%mul3A_2, %dma_wait3A_458] : memref<128x128xi32, #tpu.memory_space<hbm>> -> memref<4x128xi32, #tpu.memory_space<hbm>>
      tpu.wait_dma2 semaphore(%run_scoped3A : memref<!tpu.dma_semaphore, #tpu.memory_space<semaphore_mem>>) src(%dma_wait3A_459 : memref<4x128xi32, #tpu.memory_space<hbm>>) dst(%dma_wait3A_457 : memref<4x128xi32, #tpu.memory_space<vmem>>)
      tpu.yield
    }) : () -> ()
    %dma_start3A = arith.constant 0 : i32
    %dma_start3A_3 = arith.constant 0 : i32
    %dma_start3A_4 = arith.constant 0 : i32
    %dma_start3A_5 = arith.constant 0 : i32
    %dma_start3A_6 = tpu.memref_slice %arg9[%dma_start3A_3, %dma_start3A_4, %dma_start3A_5] : memref<6x128x128xf32, #tpu.memory_space<vmem>> -> memref<1x128x128xf32, #tpu.memory_space<vmem>>
    %dma_start3A_7 = tpu.memref_squeeze %dma_start3A_6 : memref<1x128x128xf32, #tpu.memory_space<vmem>> -> memref<128x128xf32, #tpu.memory_space<vmem>>
    %dma_start3A_8 = arith.constant 0 : i32
    %dma_start3A_9 = tpu.memref_slice %arg8[%dma_start3A, %dma_start3A_8] : memref<8x128xi32, #tpu.memory_space<vmem>> -> memref<1x128xi32, #tpu.memory_space<vmem>>
    %dma_start3A_10 = tpu.memref_squeeze %dma_start3A_9 : memref<1x128xi32, #tpu.memory_space<vmem>> -> memref<128xi32, #tpu.memory_space<vmem>>
    %dma_start3A_11 = arith.constant 0 : i32
    %dma_start3A_12 = arith.constant 0 : i32
    %dma_start3A_13 = tpu.memref_slice %arg4[%dma_start3A_11, %dma_start3A_12] : memref<1000000x128xf32, #tpu.memory_space<hbm>> -> memref<1000000x128xf32, #tpu.memory_space<hbm>>
    tpu.enqueue_indirect_dma source(%dma_start3A_13 : memref<1000000x128xf32, #tpu.memory_space<hbm>>) target(%dma_start3A_7 : memref<128x128xf32, #tpu.memory_space<vmem>>) offsets(%dma_start3A_10 : memref<128xi32, #tpu.memory_space<vmem>>) semaphore(%arg10 : memref<!tpu.dma_semaphore, #tpu.memory_space<semaphore_mem>>)
    %dma_start3A_14 = arith.constant 1 : i32
    %dma_start3A_15 = arith.constant 1 : i32
    %dma_start3A_16 = arith.constant 0 : i32
    %dma_start3A_17 = arith.constant 0 : i32
    %dma_start3A_18 = tpu.memref_slice %arg9[%dma_start3A_15, %dma_start3A_16, %dma_start3A_17] : memref<6x128x128xf32, #tpu.memory_space<vmem>> -> memref<1x128x128xf32, #tpu.memory_space<vmem>>
    %dma_start3A_19 = tpu.memref_squeeze %dma_start3A_18 : memref<1x128x128xf32, #tpu.memory_space<vmem>> -> memref<128x128xf32, #tpu.memory_space<vmem>>
    %dma_start3A_20 = arith.constant 0 : i32
    %dma_start3A_21 = tpu.memref_slice %arg8[%dma_start3A_14, %dma_start3A_20] : memref<8x128xi32, #tpu.memory_space<vmem>> -> memref<1x128xi32, #tpu.memory_space<vmem>>
    %dma_start3A_22 = tpu.memref_squeeze %dma_start3A_21 : memref<1x128xi32, #tpu.memory_space<vmem>> -> memref<128xi32, #tpu.memory_space<vmem>>
    %dma_start3A_23 = arith.constant 0 : i32
    %dma_start3A_24 = arith.constant 0 : i32
    %dma_start3A_25 = tpu.memref_slice %arg4[%dma_start3A_23, %dma_start3A_24] : memref<1000000x128xf32, #tpu.memory_space<hbm>> -> memref<1000000x128xf32, #tpu.memory_space<hbm>>
    tpu.enqueue_indirect_dma source(%dma_start3A_25 : memref<1000000x128xf32, #tpu.memory_space<hbm>>) target(%dma_start3A_19 : memref<128x128xf32, #tpu.memory_space<vmem>>) offsets(%dma_start3A_22 : memref<128xi32, #tpu.memory_space<vmem>>) semaphore(%arg10 : memref<!tpu.dma_semaphore, #tpu.memory_space<semaphore_mem>>)
    %dma_start3A_26 = arith.constant 2 : i32
    %dma_start3A_27 = arith.constant 2 : i32
    %dma_start3A_28 = arith.constant 0 : i32
    %dma_start3A_29 = arith.constant 0 : i32
    %dma_start3A_30 = tpu.memref_slice %arg9[%dma_start3A_27, %dma_start3A_28, %dma_start3A_29] : memref<6x128x128xf32, #tpu.memory_space<vmem>> -> memref<1x128x128xf32, #tpu.memory_space<vmem>>
    %dma_start3A_31 = tpu.memref_squeeze %dma_start3A_30 : memref<1x128x128xf32, #tpu.memory_space<vmem>> -> memref<128x128xf32, #tpu.memory_space<vmem>>
    %dma_start3A_32 = arith.constant 0 : i32
    %dma_start3A_33 = tpu.memref_slice %arg8[%dma_start3A_26, %dma_start3A_32] : memref<8x128xi32, #tpu.memory_space<vmem>> -> memref<1x128xi32, #tpu.memory_space<vmem>>
    %dma_start3A_34 = tpu.memref_squeeze %dma_start3A_33 : memref<1x128xi32, #tpu.memory_space<vmem>> -> memref<128xi32, #tpu.memory_space<vmem>>
    %dma_start3A_35 = arith.constant 0 : i32
    %dma_start3A_36 = arith.constant 0 : i32
    %dma_start3A_37 = tpu.memref_slice %arg4[%dma_start3A_35, %dma_start3A_36] : memref<1000000x128xf32, #tpu.memory_space<hbm>> -> memref<1000000x128xf32, #tpu.memory_space<hbm>>
    tpu.enqueue_indirect_dma source(%dma_start3A_37 : memref<1000000x128xf32, #tpu.memory_space<hbm>>) target(%dma_start3A_31 : memref<128x128xf32, #tpu.memory_space<vmem>>) offsets(%dma_start3A_34 : memref<128xi32, #tpu.memory_space<vmem>>) semaphore(%arg10 : memref<!tpu.dma_semaphore, #tpu.memory_space<semaphore_mem>>)
    %dma_start3A_38 = arith.constant 3 : i32
    %dma_start3A_39 = arith.constant 3 : i32
    %dma_start3A_40 = arith.constant 0 : i32
    %dma_start3A_41 = arith.constant 0 : i32
    %dma_start3A_42 = tpu.memref_slice %arg9[%dma_start3A_39, %dma_start3A_40, %dma_start3A_41] : memref<6x128x128xf32, #tpu.memory_space<vmem>> -> memref<1x128x128xf32, #tpu.memory_space<vmem>>
    %dma_start3A_43 = tpu.memref_squeeze %dma_start3A_42 : memref<1x128x128xf32, #tpu.memory_space<vmem>> -> memref<128x128xf32, #tpu.memory_space<vmem>>
    %dma_start3A_44 = arith.constant 0 : i32
    %dma_start3A_45 = tpu.memref_slice %arg8[%dma_start3A_38, %dma_start3A_44] : memref<8x128xi32, #tpu.memory_space<vmem>> -> memref<1x128xi32, #tpu.memory_space<vmem>>
    %dma_start3A_46 = tpu.memref_squeeze %dma_start3A_45 : memref<1x128xi32, #tpu.memory_space<vmem>> -> memref<128xi32, #tpu.memory_space<vmem>>
    %dma_start3A_47 = arith.constant 0 : i32
    %dma_start3A_48 = arith.constant 0 : i32
    %dma_start3A_49 = tpu.memref_slice %arg4[%dma_start3A_47, %dma_start3A_48] : memref<1000000x128xf32, #tpu.memory_space<hbm>> -> memref<1000000x128xf32, #tpu.memory_space<hbm>>
    tpu.enqueue_indirect_dma source(%dma_start3A_49 : memref<1000000x128xf32, #tpu.memory_space<hbm>>) target(%dma_start3A_43 : memref<128x128xf32, #tpu.memory_space<vmem>>) offsets(%dma_start3A_46 : memref<128xi32, #tpu.memory_space<vmem>>) semaphore(%arg10 : memref<!tpu.dma_semaphore, #tpu.memory_space<semaphore_mem>>)
    %dma_start3A_50 = arith.constant 4 : i32
    %dma_start3A_51 = arith.constant 4 : i32
    %dma_start3A_52 = arith.constant 0 : i32
    %dma_start3A_53 = arith.constant 0 : i32
    %dma_start3A_54 = tpu.memref_slice %arg9[%dma_start3A_51, %dma_start3A_52, %dma_start3A_53] : memref<6x128x128xf32, #tpu.memory_space<vmem>> -> memref<1x128x128xf32, #tpu.memory_space<vmem>>
    %dma_start3A_55 = tpu.memref_squeeze %dma_start3A_54 : memref<1x128x128xf32, #tpu.memory_space<vmem>> -> memref<128x128xf32, #tpu.memory_space<vmem>>
    %dma_start3A_56 = arith.constant 0 : i32
    %dma_start3A_57 = tpu.memref_slice %arg8[%dma_start3A_50, %dma_start3A_56] : memref<8x128xi32, #tpu.memory_space<vmem>> -> memref<1x128xi32, #tpu.memory_space<vmem>>
    %dma_start3A_58 = tpu.memref_squeeze %dma_start3A_57 : memref<1x128xi32, #tpu.memory_space<vmem>> -> memref<128xi32, #tpu.memory_space<vmem>>
    %dma_start3A_59 = arith.constant 0 : i32
    %dma_start3A_60 = arith.constant 0 : i32
    %dma_start3A_61 = tpu.memref_slice %arg5[%dma_start3A_59, %dma_start3A_60] : memref<1000000x128xf32, #tpu.memory_space<hbm>> -> memref<1000000x128xf32, #tpu.memory_space<hbm>>
    tpu.enqueue_indirect_dma source(%dma_start3A_61 : memref<1000000x128xf32, #tpu.memory_space<hbm>>) target(%dma_start3A_55 : memref<128x128xf32, #tpu.memory_space<vmem>>) offsets(%dma_start3A_58 : memref<128xi32, #tpu.memory_space<vmem>>) semaphore(%arg10 : memref<!tpu.dma_semaphore, #tpu.memory_space<semaphore_mem>>)
    %dma_start3A_62 = arith.constant 5 : i32
    %dma_start3A_63 = arith.constant 5 : i32
    %dma_start3A_64 = arith.constant 0 : i32
    %dma_start3A_65 = arith.constant 0 : i32
    %dma_start3A_66 = tpu.memref_slice %arg9[%dma_start3A_63, %dma_start3A_64, %dma_start3A_65] : memref<6x128x128xf32, #tpu.memory_space<vmem>> -> memref<1x128x128xf32, #tpu.memory_space<vmem>>
    %dma_start3A_67 = tpu.memref_squeeze %dma_start3A_66 : memref<1x128x128xf32, #tpu.memory_space<vmem>> -> memref<128x128xf32, #tpu.memory_space<vmem>>
    %dma_start3A_68 = arith.constant 0 : i32
    %dma_start3A_69 = tpu.memref_slice %arg8[%dma_start3A_62, %dma_start3A_68] : memref<8x128xi32, #tpu.memory_space<vmem>> -> memref<1x128xi32, #tpu.memory_space<vmem>>
    %dma_start3A_70 = tpu.memref_squeeze %dma_start3A_69 : memref<1x128xi32, #tpu.memory_space<vmem>> -> memref<128xi32, #tpu.memory_space<vmem>>
    %dma_start3A_71 = arith.constant 0 : i32
    %dma_start3A_72 = arith.constant 0 : i32
    %dma_start3A_73 = tpu.memref_slice %arg5[%dma_start3A_71, %dma_start3A_72] : memref<1000000x128xf32, #tpu.memory_space<hbm>> -> memref<1000000x128xf32, #tpu.memory_space<hbm>>
    tpu.enqueue_indirect_dma source(%dma_start3A_73 : memref<1000000x128xf32, #tpu.memory_space<hbm>>) target(%dma_start3A_67 : memref<128x128xf32, #tpu.memory_space<vmem>>) offsets(%dma_start3A_70 : memref<128xi32, #tpu.memory_space<vmem>>) semaphore(%arg10 : memref<!tpu.dma_semaphore, #tpu.memory_space<semaphore_mem>>)
    %dma_wait3A = arith.constant 0 : i32
    %dma_wait3A_74 = arith.constant 0 : i32
    %dma_wait3A_75 = arith.constant 0 : i32
    %dma_wait3A_76 = arith.constant 0 : i32
    %dma_wait3A_77 = tpu.memref_slice %arg9[%dma_wait3A_74, %dma_wait3A_75, %dma_wait3A_76] : memref<6x128x128xf32, #tpu.memory_space<vmem>> -> memref<1x128x128xf32, #tpu.memory_space<vmem>>
    %dma_wait3A_78 = tpu.memref_squeeze %dma_wait3A_77 : memref<1x128x128xf32, #tpu.memory_space<vmem>> -> memref<128x128xf32, #tpu.memory_space<vmem>>
    %dma_wait3A_79 = arith.constant 0 : i32
    %dma_wait3A_80 = tpu.memref_slice %arg8[%dma_wait3A, %dma_wait3A_79] : memref<8x128xi32, #tpu.memory_space<vmem>> -> memref<1x128xi32, #tpu.memory_space<vmem>>
    %dma_wait3A_81 = tpu.memref_squeeze %dma_wait3A_80 : memref<1x128xi32, #tpu.memory_space<vmem>> -> memref<128xi32, #tpu.memory_space<vmem>>
    %dma_wait3A_82 = arith.constant 0 : i32
    %dma_wait3A_83 = arith.constant 0 : i32
    %dma_wait3A_84 = tpu.memref_slice %arg4[%dma_wait3A_82, %dma_wait3A_83] : memref<1000000x128xf32, #tpu.memory_space<hbm>> -> memref<1000000x128xf32, #tpu.memory_space<hbm>>
    tpu.wait_indirect_dma semaphore(%arg10 : memref<!tpu.dma_semaphore, #tpu.memory_space<semaphore_mem>>) src(%dma_wait3A_84 : memref<1000000x128xf32, #tpu.memory_space<hbm>>) dst(%dma_wait3A_78 : memref<128x128xf32, #tpu.memory_space<vmem>>)
    %add3A_85 = arith.constant 0 : i32
    %add3A_86 = arith.addi %mul3A_2, %add3A_85 : i32
    %mul3A_87 = arith.constant 128 : i32
    %mul3A_88 = arith.muli %add3A_86, %mul3A_87 : i32
    %dma_start3A_89 = arith.constant 0 : i32
    %dma_start3A_90 = arith.constant 0 : i32
    %dma_start3A_91 = arith.constant 0 : i32
    %dma_start3A_92 = tpu.memref_slice %arg9[%dma_start3A_89, %dma_start3A_90, %dma_start3A_91] : memref<6x128x128xf32, #tpu.memory_space<vmem>> -> memref<1x128x128xf32, #tpu.memory_space<vmem>>
    %dma_start3A_93 = tpu.memref_squeeze %dma_start3A_92 : memref<1x128x128xf32, #tpu.memory_space<vmem>> -> memref<128x128xf32, #tpu.memory_space<vmem>>
    %dma_start3A_94 = arith.constant 0 : i32
    %dma_start3A_95 = tpu.memref_slice %arg6[%mul3A_88, %dma_start3A_94] : memref<16384x128xf32, #tpu.memory_space<hbm>> -> memref<128x128xf32, #tpu.memory_space<hbm>>
    %dma_start3A_96 = arith.constant 0 : i32
    %dma_start3A_97 = tpu.memref_slice %arg6[%mul3A_88, %dma_start3A_96] : memref<16384x128xf32, #tpu.memory_space<hbm>> -> memref<128x128xf32, #tpu.memory_space<hbm>>
    %dma_start3A_98 = arith.constant 0 : i32
    %dma_start3A_99 = arith.constant 0 : i32
    %dma_start3A_100 = tpu.memref_slice %arg9[%dma_start3A_89, %dma_start3A_98, %dma_start3A_99] : memref<6x128x128xf32, #tpu.memory_space<vmem>> -> memref<1x128x128xf32, #tpu.memory_space<vmem>>
    %dma_start3A_101 = tpu.memref_squeeze %dma_start3A_100 : memref<1x128x128xf32, #tpu.memory_space<vmem>> -> memref<128x128xf32, #tpu.memory_space<vmem>>
    tpu.enqueue_dma source(%dma_start3A_101 : memref<128x128xf32, #tpu.memory_space<vmem>>) target(%dma_start3A_97 : memref<128x128xf32, #tpu.memory_space<hbm>>) target_semaphore(%arg11 : memref<!tpu.dma_semaphore, #tpu.memory_space<semaphore_mem>>)
    %dma_wait3A_102 = arith.constant 0 : i32
    %dma_wait3A_103 = arith.constant 0 : i32
    %dma_wait3A_104 = arith.constant 0 : i32
    %dma_wait3A_105 = tpu.memref_slice %arg9[%dma_wait3A_102, %dma_wait3A_103, %dma_wait3A_104] : memref<6x128x128xf32, #tpu.memory_space<vmem>> -> memref<1x128x128xf32, #tpu.memory_space<vmem>>
    %dma_wait3A_106 = tpu.memref_squeeze %dma_wait3A_105 : memref<1x128x128xf32, #tpu.memory_space<vmem>> -> memref<128x128xf32, #tpu.memory_space<vmem>>
    %dma_wait3A_107 = arith.constant 0 : i32
    %dma_wait3A_108 = tpu.memref_slice %arg6[%mul3A_88, %dma_wait3A_107] : memref<16384x128xf32, #tpu.memory_space<hbm>> -> memref<128x128xf32, #tpu.memory_space<hbm>>
    %dma_wait3A_109 = arith.constant 0 : i32
    %dma_wait3A_110 = tpu.memref_slice %arg6[%mul3A_88, %dma_wait3A_109] : memref<16384x128xf32, #tpu.memory_space<hbm>> -> memref<128x128xf32, #tpu.memory_space<hbm>>
    %dma_wait3A_111 = arith.constant 0 : i32
    %dma_wait3A_112 = arith.constant 0 : i32
    %dma_wait3A_113 = tpu.memref_slice %arg9[%dma_wait3A_102, %dma_wait3A_111, %dma_wait3A_112] : memref<6x128x128xf32, #tpu.memory_space<vmem>> -> memref<1x128x128xf32, #tpu.memory_space<vmem>>
    %dma_wait3A_114 = tpu.memref_squeeze %dma_wait3A_113 : memref<1x128x128xf32, #tpu.memory_space<vmem>> -> memref<128x128xf32, #tpu.memory_space<vmem>>
    tpu.wait_dma2 semaphore(%arg11 : memref<!tpu.dma_semaphore, #tpu.memory_space<semaphore_mem>>) src(%dma_wait3A_114 : memref<128x128xf32, #tpu.memory_space<vmem>>) dst(%dma_wait3A_110 : memref<128x128xf32, #tpu.memory_space<hbm>>)
    %dma_start3A_115 = arith.constant 6 : i32
    %dma_start3A_116 = arith.constant 0 : i32
    %dma_start3A_117 = arith.constant 0 : i32
    %dma_start3A_118 = arith.constant 0 : i32
    %dma_start3A_119 = tpu.memref_slice %arg9[%dma_start3A_116, %dma_start3A_117, %dma_start3A_118] : memref<6x128x128xf32, #tpu.memory_space<vmem>> -> memref<1x128x128xf32, #tpu.memory_space<vmem>>
    %dma_start3A_120 = tpu.memref_squeeze %dma_start3A_119 : memref<1x128x128xf32, #tpu.memory_space<vmem>> -> memref<128x128xf32, #tpu.memory_space<vmem>>
    %dma_start3A_121 = arith.constant 0 : i32
    %dma_start3A_122 = tpu.memref_slice %arg8[%dma_start3A_115, %dma_start3A_121] : memref<8x128xi32, #tpu.memory_space<vmem>> -> memref<1x128xi32, #tpu.memory_space<vmem>>
    %dma_start3A_123 = tpu.memref_squeeze %dma_start3A_122 : memref<1x128xi32, #tpu.memory_space<vmem>> -> memref<128xi32, #tpu.memory_space<vmem>>
    %dma_start3A_124 = arith.constant 0 : i32
    %dma_start3A_125 = arith.constant 0 : i32
    %dma_start3A_126 = tpu.memref_slice %arg5[%dma_start3A_124, %dma_start3A_125] : memref<1000000x128xf32, #tpu.memory_space<hbm>> -> memref<1000000x128xf32, #tpu.memory_space<hbm>>
    tpu.enqueue_indirect_dma source(%dma_start3A_126 : memref<1000000x128xf32, #tpu.memory_space<hbm>>) target(%dma_start3A_120 : memref<128x128xf32, #tpu.memory_space<vmem>>) offsets(%dma_start3A_123 : memref<128xi32, #tpu.memory_space<vmem>>) semaphore(%arg10 : memref<!tpu.dma_semaphore, #tpu.memory_space<semaphore_mem>>)
    %dma_wait3A_127 = arith.constant 1 : i32
    %dma_wait3A_128 = arith.constant 1 : i32
    %dma_wait3A_129 = arith.constant 0 : i32
    %dma_wait3A_130 = arith.constant 0 : i32
    %dma_wait3A_131 = tpu.memref_slice %arg9[%dma_wait3A_128, %dma_wait3A_129, %dma_wait3A_130] : memref<6x128x128xf32, #tpu.memory_space<vmem>> -> memref<1x128x128xf32, #tpu.memory_space<vmem>>
    %dma_wait3A_132 = tpu.memref_squeeze %dma_wait3A_131 : memref<1x128x128xf32, #tpu.memory_space<vmem>> -> memref<128x128xf32, #tpu.memory_space<vmem>>
    %dma_wait3A_133 = arith.constant 0 : i32
    %dma_wait3A_134 = tpu.memref_slice %arg8[%dma_wait3A_127, %dma_wait3A_133] : memref<8x128xi32, #tpu.memory_space<vmem>> -> memref<1x128xi32, #tpu.memory_space<vmem>>
    %dma_wait3A_135 = tpu.memref_squeeze %dma_wait3A_134 : memref<1x128xi32, #tpu.memory_space<vmem>> -> memref<128xi32, #tpu.memory_space<vmem>>
    %dma_wait3A_136 = arith.constant 0 : i32
    %dma_wait3A_137 = arith.constant 0 : i32
    %dma_wait3A_138 = tpu.memref_slice %arg4[%dma_wait3A_136, %dma_wait3A_137] : memref<1000000x128xf32, #tpu.memory_space<hbm>> -> memref<1000000x128xf32, #tpu.memory_space<hbm>>
    tpu.wait_indirect_dma semaphore(%arg10 : memref<!tpu.dma_semaphore, #tpu.memory_space<semaphore_mem>>) src(%dma_wait3A_138 : memref<1000000x128xf32, #tpu.memory_space<hbm>>) dst(%dma_wait3A_132 : memref<128x128xf32, #tpu.memory_space<vmem>>)
    %add3A_139 = arith.constant 1 : i32
    %add3A_140 = arith.addi %mul3A_2, %add3A_139 : i32
    %mul3A_141 = arith.constant 128 : i32
    %mul3A_142 = arith.muli %add3A_140, %mul3A_141 : i32
    %dma_start3A_143 = arith.constant 1 : i32
    %dma_start3A_144 = arith.constant 0 : i32
    %dma_start3A_145 = arith.constant 0 : i32
    %dma_start3A_146 = tpu.memref_slice %arg9[%dma_start3A_143, %dma_start3A_144, %dma_start3A_145] : memref<6x128x128xf32, #tpu.memory_space<vmem>> -> memref<1x128x128xf32, #tpu.memory_space<vmem>>
    %dma_start3A_147 = tpu.memref_squeeze %dma_start3A_146 : memref<1x128x128xf32, #tpu.memory_space<vmem>> -> memref<128x128xf32, #tpu.memory_space<vmem>>
    %dma_start3A_148 = arith.constant 0 : i32
    %dma_start3A_149 = tpu.memref_slice %arg6[%mul3A_142, %dma_start3A_148] : memref<16384x128xf32, #tpu.memory_space<hbm>> -> memref<128x128xf32, #tpu.memory_space<hbm>>
    %dma_start3A_150 = arith.constant 0 : i32
    %dma_start3A_151 = tpu.memref_slice %arg6[%mul3A_142, %dma_start3A_150] : memref<16384x128xf32, #tpu.memory_space<hbm>> -> memref<128x128xf32, #tpu.memory_space<hbm>>
    %dma_start3A_152 = arith.constant 0 : i32
    %dma_start3A_153 = arith.constant 0 : i32
    %dma_start3A_154 = tpu.memref_slice %arg9[%dma_start3A_143, %dma_start3A_152, %dma_start3A_153] : memref<6x128x128xf32, #tpu.memory_space<vmem>> -> memref<1x128x128xf32, #tpu.memory_space<vmem>>
    %dma_start3A_155 = tpu.memref_squeeze %dma_start3A_154 : memref<1x128x128xf32, #tpu.memory_space<vmem>> -> memref<128x128xf32, #tpu.memory_space<vmem>>
    tpu.enqueue_dma source(%dma_start3A_155 : memref<128x128xf32, #tpu.memory_space<vmem>>) target(%dma_start3A_151 : memref<128x128xf32, #tpu.memory_space<hbm>>) target_semaphore(%arg11 : memref<!tpu.dma_semaphore, #tpu.memory_space<semaphore_mem>>)
    %dma_wait3A_156 = arith.constant 1 : i32
    %dma_wait3A_157 = arith.constant 0 : i32
    %dma_wait3A_158 = arith.constant 0 : i32
    %dma_wait3A_159 = tpu.memref_slice %arg9[%dma_wait3A_156, %dma_wait3A_157, %dma_wait3A_158] : memref<6x128x128xf32, #tpu.memory_space<vmem>> -> memref<1x128x128xf32, #tpu.memory_space<vmem>>
    %dma_wait3A_160 = tpu.memref_squeeze %dma_wait3A_159 : memref<1x128x128xf32, #tpu.memory_space<vmem>> -> memref<128x128xf32, #tpu.memory_space<vmem>>
    %dma_wait3A_161 = arith.constant 0 : i32
    %dma_wait3A_162 = tpu.memref_slice %arg6[%mul3A_142, %dma_wait3A_161] : memref<16384x128xf32, #tpu.memory_space<hbm>> -> memref<128x128xf32, #tpu.memory_space<hbm>>
    %dma_wait3A_163 = arith.constant 0 : i32
    %dma_wait3A_164 = tpu.memref_slice %arg6[%mul3A_142, %dma_wait3A_163] : memref<16384x128xf32, #tpu.memory_space<hbm>> -> memref<128x128xf32, #tpu.memory_space<hbm>>
    %dma_wait3A_165 = arith.constant 0 : i32
    %dma_wait3A_166 = arith.constant 0 : i32
    %dma_wait3A_167 = tpu.memref_slice %arg9[%dma_wait3A_156, %dma_wait3A_165, %dma_wait3A_166] : memref<6x128x128xf32, #tpu.memory_space<vmem>> -> memref<1x128x128xf32, #tpu.memory_space<vmem>>
    %dma_wait3A_168 = tpu.memref_squeeze %dma_wait3A_167 : memref<1x128x128xf32, #tpu.memory_space<vmem>> -> memref<128x128xf32, #tpu.memory_space<vmem>>
    tpu.wait_dma2 semaphore(%arg11 : memref<!tpu.dma_semaphore, #tpu.memory_space<semaphore_mem>>) src(%dma_wait3A_168 : memref<128x128xf32, #tpu.memory_space<vmem>>) dst(%dma_wait3A_164 : memref<128x128xf32, #tpu.memory_space<hbm>>)
    %dma_start3A_169 = arith.constant 7 : i32
    %dma_start3A_170 = arith.constant 1 : i32
    %dma_start3A_171 = arith.constant 0 : i32
    %dma_start3A_172 = arith.constant 0 : i32
    %dma_start3A_173 = tpu.memref_slice %arg9[%dma_start3A_170, %dma_start3A_171, %dma_start3A_172] : memref<6x128x128xf32, #tpu.memory_space<vmem>> -> memref<1x128x128xf32, #tpu.memory_space<vmem>>
    %dma_start3A_174 = tpu.memref_squeeze %dma_start3A_173 : memref<1x128x128xf32, #tpu.memory_space<vmem>> -> memref<128x128xf32, #tpu.memory_space<vmem>>
    %dma_start3A_175 = arith.constant 0 : i32
    %dma_start3A_176 = tpu.memref_slice %arg8[%dma_start3A_169, %dma_start3A_175] : memref<8x128xi32, #tpu.memory_space<vmem>> -> memref<1x128xi32, #tpu.memory_space<vmem>>
    %dma_start3A_177 = tpu.memref_squeeze %dma_start3A_176 : memref<1x128xi32, #tpu.memory_space<vmem>> -> memref<128xi32, #tpu.memory_space<vmem>>
    %dma_start3A_178 = arith.constant 0 : i32
    %dma_start3A_179 = arith.constant 0 : i32
    %dma_start3A_180 = tpu.memref_slice %arg5[%dma_start3A_178, %dma_start3A_179] : memref<1000000x128xf32, #tpu.memory_space<hbm>> -> memref<1000000x128xf32, #tpu.memory_space<hbm>>
    tpu.enqueue_indirect_dma source(%dma_start3A_180 : memref<1000000x128xf32, #tpu.memory_space<hbm>>) target(%dma_start3A_174 : memref<128x128xf32, #tpu.memory_space<vmem>>) offsets(%dma_start3A_177 : memref<128xi32, #tpu.memory_space<vmem>>) semaphore(%arg10 : memref<!tpu.dma_semaphore, #tpu.memory_space<semaphore_mem>>)
    %dma_wait3A_181 = arith.constant 2 : i32
    %dma_wait3A_182 = arith.constant 2 : i32
    %dma_wait3A_183 = arith.constant 0 : i32
    %dma_wait3A_184 = arith.constant 0 : i32
    %dma_wait3A_185 = tpu.memref_slice %arg9[%dma_wait3A_182, %dma_wait3A_183, %dma_wait3A_184] : memref<6x128x128xf32, #tpu.memory_space<vmem>> -> memref<1x128x128xf32, #tpu.memory_space<vmem>>
    %dma_wait3A_186 = tpu.memref_squeeze %dma_wait3A_185 : memref<1x128x128xf32, #tpu.memory_space<vmem>> -> memref<128x128xf32, #tpu.memory_space<vmem>>
    %dma_wait3A_187 = arith.constant 0 : i32
    %dma_wait3A_188 = tpu.memref_slice %arg8[%dma_wait3A_181, %dma_wait3A_187] : memref<8x128xi32, #tpu.memory_space<vmem>> -> memref<1x128xi32, #tpu.memory_space<vmem>>
    %dma_wait3A_189 = tpu.memref_squeeze %dma_wait3A_188 : memref<1x128xi32, #tpu.memory_space<vmem>> -> memref<128xi32, #tpu.memory_space<vmem>>
    %dma_wait3A_190 = arith.constant 0 : i32
    %dma_wait3A_191 = arith.constant 0 : i32
    %dma_wait3A_192 = tpu.memref_slice %arg4[%dma_wait3A_190, %dma_wait3A_191] : memref<1000000x128xf32, #tpu.memory_space<hbm>> -> memref<1000000x128xf32, #tpu.memory_space<hbm>>
    tpu.wait_indirect_dma semaphore(%arg10 : memref<!tpu.dma_semaphore, #tpu.memory_space<semaphore_mem>>) src(%dma_wait3A_192 : memref<1000000x128xf32, #tpu.memory_space<hbm>>) dst(%dma_wait3A_186 : memref<128x128xf32, #tpu.memory_space<vmem>>)
    %add3A_193 = arith.constant 2 : i32
    %add3A_194 = arith.addi %mul3A_2, %add3A_193 : i32
    %mul3A_195 = arith.constant 128 : i32
    %mul3A_196 = arith.muli %add3A_194, %mul3A_195 : i32
    %dma_start3A_197 = arith.constant 2 : i32
    %dma_start3A_198 = arith.constant 0 : i32
    %dma_start3A_199 = arith.constant 0 : i32
    %dma_start3A_200 = tpu.memref_slice %arg9[%dma_start3A_197, %dma_start3A_198, %dma_start3A_199] : memref<6x128x128xf32, #tpu.memory_space<vmem>> -> memref<1x128x128xf32, #tpu.memory_space<vmem>>
    %dma_start3A_201 = tpu.memref_squeeze %dma_start3A_200 : memref<1x128x128xf32, #tpu.memory_space<vmem>> -> memref<128x128xf32, #tpu.memory_space<vmem>>
    %dma_start3A_202 = arith.constant 0 : i32
    %dma_start3A_203 = tpu.memref_slice %arg6[%mul3A_196, %dma_start3A_202] : memref<16384x128xf32, #tpu.memory_space<hbm>> -> memref<128x128xf32, #tpu.memory_space<hbm>>
    %dma_start3A_204 = arith.constant 0 : i32
    %dma_start3A_205 = tpu.memref_slice %arg6[%mul3A_196, %dma_start3A_204] : memref<16384x128xf32, #tpu.memory_space<hbm>> -> memref<128x128xf32, #tpu.memory_space<hbm>>
    %dma_start3A_206 = arith.constant 0 : i32
    %dma_start3A_207 = arith.constant 0 : i32
    %dma_start3A_208 = tpu.memref_slice %arg9[%dma_start3A_197, %dma_start3A_206, %dma_start3A_207] : memref<6x128x128xf32, #tpu.memory_space<vmem>> -> memref<1x128x128xf32, #tpu.memory_space<vmem>>
    %dma_start3A_209 = tpu.memref_squeeze %dma_start3A_208 : memref<1x128x128xf32, #tpu.memory_space<vmem>> -> memref<128x128xf32, #tpu.memory_space<vmem>>
    tpu.enqueue_dma source(%dma_start3A_209 : memref<128x128xf32, #tpu.memory_space<vmem>>) target(%dma_start3A_205 : memref<128x128xf32, #tpu.memory_space<hbm>>) target_semaphore(%arg11 : memref<!tpu.dma_semaphore, #tpu.memory_space<semaphore_mem>>)
    %dma_wait3A_210 = arith.constant 3 : i32
    %dma_wait3A_211 = arith.constant 3 : i32
    %dma_wait3A_212 = arith.constant 0 : i32
    %dma_wait3A_213 = arith.constant 0 : i32
    %dma_wait3A_214 = tpu.memref_slice %arg9[%dma_wait3A_211, %dma_wait3A_212, %dma_wait3A_213] : memref<6x128x128xf32, #tpu.memory_space<vmem>> -> memref<1x128x128xf32, #tpu.memory_space<vmem>>
    %dma_wait3A_215 = tpu.memref_squeeze %dma_wait3A_214 : memref<1x128x128xf32, #tpu.memory_space<vmem>> -> memref<128x128xf32, #tpu.memory_space<vmem>>
    %dma_wait3A_216 = arith.constant 0 : i32
    %dma_wait3A_217 = tpu.memref_slice %arg8[%dma_wait3A_210, %dma_wait3A_216] : memref<8x128xi32, #tpu.memory_space<vmem>> -> memref<1x128xi32, #tpu.memory_space<vmem>>
    %dma_wait3A_218 = tpu.memref_squeeze %dma_wait3A_217 : memref<1x128xi32, #tpu.memory_space<vmem>> -> memref<128xi32, #tpu.memory_space<vmem>>
    %dma_wait3A_219 = arith.constant 0 : i32
    %dma_wait3A_220 = arith.constant 0 : i32
    %dma_wait3A_221 = tpu.memref_slice %arg4[%dma_wait3A_219, %dma_wait3A_220] : memref<1000000x128xf32, #tpu.memory_space<hbm>> -> memref<1000000x128xf32, #tpu.memory_space<hbm>>
    tpu.wait_indirect_dma semaphore(%arg10 : memref<!tpu.dma_semaphore, #tpu.memory_space<semaphore_mem>>) src(%dma_wait3A_221 : memref<1000000x128xf32, #tpu.memory_space<hbm>>) dst(%dma_wait3A_215 : memref<128x128xf32, #tpu.memory_space<vmem>>)
    %add3A_222 = arith.constant 3 : i32
    %add3A_223 = arith.addi %mul3A_2, %add3A_222 : i32
    %mul3A_224 = arith.constant 128 : i32
    %mul3A_225 = arith.muli %add3A_223, %mul3A_224 : i32
    %dma_start3A_226 = arith.constant 3 : i32
    %dma_start3A_227 = arith.constant 0 : i32
    %dma_start3A_228 = arith.constant 0 : i32
    %dma_start3A_229 = tpu.memref_slice %arg9[%dma_start3A_226, %dma_start3A_227, %dma_start3A_228] : memref<6x128x128xf32, #tpu.memory_space<vmem>> -> memref<1x128x128xf32, #tpu.memory_space<vmem>>
    %dma_start3A_230 = tpu.memref_squeeze %dma_start3A_229 : memref<1x128x128xf32, #tpu.memory_space<vmem>> -> memref<128x128xf32, #tpu.memory_space<vmem>>
    %dma_start3A_231 = arith.constant 0 : i32
    %dma_start3A_232 = tpu.memref_slice %arg6[%mul3A_225, %dma_start3A_231] : memref<16384x128xf32, #tpu.memory_space<hbm>> -> memref<128x128xf32, #tpu.memory_space<hbm>>
    %dma_start3A_233 = arith.constant 0 : i32
    %dma_start3A_234 = tpu.memref_slice %arg6[%mul3A_225, %dma_start3A_233] : memref<16384x128xf32, #tpu.memory_space<hbm>> -> memref<128x128xf32, #tpu.memory_space<hbm>>
    %dma_start3A_235 = arith.constant 0 : i32
    %dma_start3A_236 = arith.constant 0 : i32
    %dma_start3A_237 = tpu.memref_slice %arg9[%dma_start3A_226, %dma_start3A_235, %dma_start3A_236] : memref<6x128x128xf32, #tpu.memory_space<vmem>> -> memref<1x128x128xf32, #tpu.memory_space<vmem>>
    %dma_start3A_238 = tpu.memref_squeeze %dma_start3A_237 : memref<1x128x128xf32, #tpu.memory_space<vmem>> -> memref<128x128xf32, #tpu.memory_space<vmem>>
    tpu.enqueue_dma source(%dma_start3A_238 : memref<128x128xf32, #tpu.memory_space<vmem>>) target(%dma_start3A_234 : memref<128x128xf32, #tpu.memory_space<hbm>>) target_semaphore(%arg11 : memref<!tpu.dma_semaphore, #tpu.memory_space<semaphore_mem>>)
    %dma_wait3A_239 = arith.constant 4 : i32
    %dma_wait3A_240 = arith.constant 4 : i32
    %dma_wait3A_241 = arith.constant 0 : i32
    %dma_wait3A_242 = arith.constant 0 : i32
    %dma_wait3A_243 = tpu.memref_slice %arg9[%dma_wait3A_240, %dma_wait3A_241, %dma_wait3A_242] : memref<6x128x128xf32, #tpu.memory_space<vmem>> -> memref<1x128x128xf32, #tpu.memory_space<vmem>>
    %dma_wait3A_244 = tpu.memref_squeeze %dma_wait3A_243 : memref<1x128x128xf32, #tpu.memory_space<vmem>> -> memref<128x128xf32, #tpu.memory_space<vmem>>
    %dma_wait3A_245 = arith.constant 0 : i32
    %dma_wait3A_246 = tpu.memref_slice %arg8[%dma_wait3A_239, %dma_wait3A_245] : memref<8x128xi32, #tpu.memory_space<vmem>> -> memref<1x128xi32, #tpu.memory_space<vmem>>
    %dma_wait3A_247 = tpu.memref_squeeze %dma_wait3A_246 : memref<1x128xi32, #tpu.memory_space<vmem>> -> memref<128xi32, #tpu.memory_space<vmem>>
    %dma_wait3A_248 = arith.constant 0 : i32
    %dma_wait3A_249 = arith.constant 0 : i32
    %dma_wait3A_250 = tpu.memref_slice %arg5[%dma_wait3A_248, %dma_wait3A_249] : memref<1000000x128xf32, #tpu.memory_space<hbm>> -> memref<1000000x128xf32, #tpu.memory_space<hbm>>
    tpu.wait_indirect_dma semaphore(%arg10 : memref<!tpu.dma_semaphore, #tpu.memory_space<semaphore_mem>>) src(%dma_wait3A_250 : memref<1000000x128xf32, #tpu.memory_space<hbm>>) dst(%dma_wait3A_244 : memref<128x128xf32, #tpu.memory_space<vmem>>)
    %add3A_251 = arith.constant 4 : i32
    %add3A_252 = arith.addi %mul3A_2, %add3A_251 : i32
    %sub3A = arith.constant 4 : i32
    %sub3A_253 = arith.subi %add3A_252, %sub3A : i32
    %mul3A_254 = arith.constant 128 : i32
    %mul3A_255 = arith.muli %sub3A_253, %mul3A_254 : i32
    %dma_start3A_256 = arith.constant 4 : i32
    %dma_start3A_257 = arith.constant 0 : i32
    %dma_start3A_258 = arith.constant 0 : i32
    %dma_start3A_259 = tpu.memref_slice %arg9[%dma_start3A_256, %dma_start3A_257, %dma_start3A_258] : memref<6x128x128xf32, #tpu.memory_space<vmem>> -> memref<1x128x128xf32, #tpu.memory_space<vmem>>
    %dma_start3A_260 = tpu.memref_squeeze %dma_start3A_259 : memref<1x128x128xf32, #tpu.memory_space<vmem>> -> memref<128x128xf32, #tpu.memory_space<vmem>>
    %dma_start3A_261 = arith.constant 0 : i32
    %dma_start3A_262 = tpu.memref_slice %arg7[%mul3A_255, %dma_start3A_261] : memref<16384x128xf32, #tpu.memory_space<hbm>> -> memref<128x128xf32, #tpu.memory_space<hbm>>
    %dma_start3A_263 = arith.constant 0 : i32
    %dma_start3A_264 = tpu.memref_slice %arg7[%mul3A_255, %dma_start3A_263] : memref<16384x128xf32, #tpu.memory_space<hbm>> -> memref<128x128xf32, #tpu.memory_space<hbm>>
    %dma_start3A_265 = arith.constant 0 : i32
    %dma_start3A_266 = arith.constant 0 : i32
    %dma_start3A_267 = tpu.memref_slice %arg9[%dma_start3A_256, %dma_start3A_265, %dma_start3A_266] : memref<6x128x128xf32, #tpu.memory_space<vmem>> -> memref<1x128x128xf32, #tpu.memory_space<vmem>>
    %dma_start3A_268 = tpu.memref_squeeze %dma_start3A_267 : memref<1x128x128xf32, #tpu.memory_space<vmem>> -> memref<128x128xf32, #tpu.memory_space<vmem>>
    tpu.enqueue_dma source(%dma_start3A_268 : memref<128x128xf32, #tpu.memory_space<vmem>>) target(%dma_start3A_264 : memref<128x128xf32, #tpu.memory_space<hbm>>) target_semaphore(%arg11 : memref<!tpu.dma_semaphore, #tpu.memory_space<semaphore_mem>>)
    %dma_wait3A_269 = arith.constant 5 : i32
    %dma_wait3A_270 = arith.constant 5 : i32
    %dma_wait3A_271 = arith.constant 0 : i32
    %dma_wait3A_272 = arith.constant 0 : i32
    %dma_wait3A_273 = tpu.memref_slice %arg9[%dma_wait3A_270, %dma_wait3A_271, %dma_wait3A_272] : memref<6x128x128xf32, #tpu.memory_space<vmem>> -> memref<1x128x128xf32, #tpu.memory_space<vmem>>
    %dma_wait3A_274 = tpu.memref_squeeze %dma_wait3A_273 : memref<1x128x128xf32, #tpu.memory_space<vmem>> -> memref<128x128xf32, #tpu.memory_space<vmem>>
    %dma_wait3A_275 = arith.constant 0 : i32
    %dma_wait3A_276 = tpu.memref_slice %arg8[%dma_wait3A_269, %dma_wait3A_275] : memref<8x128xi32, #tpu.memory_space<vmem>> -> memref<1x128xi32, #tpu.memory_space<vmem>>
    %dma_wait3A_277 = tpu.memref_squeeze %dma_wait3A_276 : memref<1x128xi32, #tpu.memory_space<vmem>> -> memref<128xi32, #tpu.memory_space<vmem>>
    %dma_wait3A_278 = arith.constant 0 : i32
    %dma_wait3A_279 = arith.constant 0 : i32
    %dma_wait3A_280 = tpu.memref_slice %arg5[%dma_wait3A_278, %dma_wait3A_279] : memref<1000000x128xf32, #tpu.memory_space<hbm>> -> memref<1000000x128xf32, #tpu.memory_space<hbm>>
    tpu.wait_indirect_dma semaphore(%arg10 : memref<!tpu.dma_semaphore, #tpu.memory_space<semaphore_mem>>) src(%dma_wait3A_280 : memref<1000000x128xf32, #tpu.memory_space<hbm>>) dst(%dma_wait3A_274 : memref<128x128xf32, #tpu.memory_space<vmem>>)
    %add3A_281 = arith.constant 5 : i32
    %add3A_282 = arith.addi %mul3A_2, %add3A_281 : i32
    %sub3A_283 = arith.constant 4 : i32
    %sub3A_284 = arith.subi %add3A_282, %sub3A_283 : i32
    %mul3A_285 = arith.constant 128 : i32
    %mul3A_286 = arith.muli %sub3A_284, %mul3A_285 : i32
    %dma_start3A_287 = arith.constant 5 : i32
    %dma_start3A_288 = arith.constant 0 : i32
    %dma_start3A_289 = arith.constant 0 : i32
    %dma_start3A_290 = tpu.memref_slice %arg9[%dma_start3A_287, %dma_start3A_288, %dma_start3A_289] : memref<6x128x128xf32, #tpu.memory_space<vmem>> -> memref<1x128x128xf32, #tpu.memory_space<vmem>>
    %dma_start3A_291 = tpu.memref_squeeze %dma_start3A_290 : memref<1x128x128xf32, #tpu.memory_space<vmem>> -> memref<128x128xf32, #tpu.memory_space<vmem>>
    %dma_start3A_292 = arith.constant 0 : i32
    %dma_start3A_293 = tpu.memref_slice %arg7[%mul3A_286, %dma_start3A_292] : memref<16384x128xf32, #tpu.memory_space<hbm>> -> memref<128x128xf32, #tpu.memory_space<hbm>>
    %dma_start3A_294 = arith.constant 0 : i32
    %dma_start3A_295 = tpu.memref_slice %arg7[%mul3A_286, %dma_start3A_294] : memref<16384x128xf32, #tpu.memory_space<hbm>> -> memref<128x128xf32, #tpu.memory_space<hbm>>
    %dma_start3A_296 = arith.constant 0 : i32
    %dma_start3A_297 = arith.constant 0 : i32
    %dma_start3A_298 = tpu.memref_slice %arg9[%dma_start3A_287, %dma_start3A_296, %dma_start3A_297] : memref<6x128x128xf32, #tpu.memory_space<vmem>> -> memref<1x128x128xf32, #tpu.memory_space<vmem>>
    %dma_start3A_299 = tpu.memref_squeeze %dma_start3A_298 : memref<1x128x128xf32, #tpu.memory_space<vmem>> -> memref<128x128xf32, #tpu.memory_space<vmem>>
    tpu.enqueue_dma source(%dma_start3A_299 : memref<128x128xf32, #tpu.memory_space<vmem>>) target(%dma_start3A_295 : memref<128x128xf32, #tpu.memory_space<hbm>>) target_semaphore(%arg11 : memref<!tpu.dma_semaphore, #tpu.memory_space<semaphore_mem>>)
    %dma_wait3A_300 = arith.constant 6 : i32
    %dma_wait3A_301 = arith.constant 0 : i32
    %dma_wait3A_302 = arith.constant 0 : i32
    %dma_wait3A_303 = arith.constant 0 : i32
    %dma_wait3A_304 = tpu.memref_slice %arg9[%dma_wait3A_301, %dma_wait3A_302, %dma_wait3A_303] : memref<6x128x128xf32, #tpu.memory_space<vmem>> -> memref<1x128x128xf32, #tpu.memory_space<vmem>>
    %dma_wait3A_305 = tpu.memref_squeeze %dma_wait3A_304 : memref<1x128x128xf32, #tpu.memory_space<vmem>> -> memref<128x128xf32, #tpu.memory_space<vmem>>
    %dma_wait3A_306 = arith.constant 0 : i32
    %dma_wait3A_307 = tpu.memref_slice %arg8[%dma_wait3A_300, %dma_wait3A_306] : memref<8x128xi32, #tpu.memory_space<vmem>> -> memref<1x128xi32, #tpu.memory_space<vmem>>
    %dma_wait3A_308 = tpu.memref_squeeze %dma_wait3A_307 : memref<1x128xi32, #tpu.memory_space<vmem>> -> memref<128xi32, #tpu.memory_space<vmem>>
    %dma_wait3A_309 = arith.constant 0 : i32
    %dma_wait3A_310 = arith.constant 0 : i32
    %dma_wait3A_311 = tpu.memref_slice %arg5[%dma_wait3A_309, %dma_wait3A_310] : memref<1000000x128xf32, #tpu.memory_space<hbm>> -> memref<1000000x128xf32, #tpu.memory_space<hbm>>
    tpu.wait_indirect_dma semaphore(%arg10 : memref<!tpu.dma_semaphore, #tpu.memory_space<semaphore_mem>>) src(%dma_wait3A_311 : memref<1000000x128xf32, #tpu.memory_space<hbm>>) dst(%dma_wait3A_305 : memref<128x128xf32, #tpu.memory_space<vmem>>)
    %add3A_312 = arith.constant 6 : i32
    %add3A_313 = arith.addi %mul3A_2, %add3A_312 : i32
    %sub3A_314 = arith.constant 4 : i32
    %sub3A_315 = arith.subi %add3A_313, %sub3A_314 : i32
    %mul3A_316 = arith.constant 128 : i32
    %mul3A_317 = arith.muli %sub3A_315, %mul3A_316 : i32
    %dma_start3A_318 = arith.constant 0 : i32
    %dma_start3A_319 = arith.constant 0 : i32
    %dma_start3A_320 = arith.constant 0 : i32
    %dma_start3A_321 = tpu.memref_slice %arg9[%dma_start3A_318, %dma_start3A_319, %dma_start3A_320] : memref<6x128x128xf32, #tpu.memory_space<vmem>> -> memref<1x128x128xf32, #tpu.memory_space<vmem>>
    %dma_start3A_322 = tpu.memref_squeeze %dma_start3A_321 : memref<1x128x128xf32, #tpu.memory_space<vmem>> -> memref<128x128xf32, #tpu.memory_space<vmem>>
    %dma_start3A_323 = arith.constant 0 : i32
    %dma_start3A_324 = tpu.memref_slice %arg7[%mul3A_317, %dma_start3A_323] : memref<16384x128xf32, #tpu.memory_space<hbm>> -> memref<128x128xf32, #tpu.memory_space<hbm>>
    %dma_start3A_325 = arith.constant 0 : i32
    %dma_start3A_326 = tpu.memref_slice %arg7[%mul3A_317, %dma_start3A_325] : memref<16384x128xf32, #tpu.memory_space<hbm>> -> memref<128x128xf32, #tpu.memory_space<hbm>>
    %dma_start3A_327 = arith.constant 0 : i32
    %dma_start3A_328 = arith.constant 0 : i32
    %dma_start3A_329 = tpu.memref_slice %arg9[%dma_start3A_318, %dma_start3A_327, %dma_start3A_328] : memref<6x128x128xf32, #tpu.memory_space<vmem>> -> memref<1x128x128xf32, #tpu.memory_space<vmem>>
    %dma_start3A_330 = tpu.memref_squeeze %dma_start3A_329 : memref<1x128x128xf32, #tpu.memory_space<vmem>> -> memref<128x128xf32, #tpu.memory_space<vmem>>
    tpu.enqueue_dma source(%dma_start3A_330 : memref<128x128xf32, #tpu.memory_space<vmem>>) target(%dma_start3A_326 : memref<128x128xf32, #tpu.memory_space<hbm>>) target_semaphore(%arg11 : memref<!tpu.dma_semaphore, #tpu.memory_space<semaphore_mem>>)
    %dma_wait3A_331 = arith.constant 7 : i32
    %dma_wait3A_332 = arith.constant 1 : i32
    %dma_wait3A_333 = arith.constant 0 : i32
    %dma_wait3A_334 = arith.constant 0 : i32
    %dma_wait3A_335 = tpu.memref_slice %arg9[%dma_wait3A_332, %dma_wait3A_333, %dma_wait3A_334] : memref<6x128x128xf32, #tpu.memory_space<vmem>> -> memref<1x128x128xf32, #tpu.memory_space<vmem>>
    %dma_wait3A_336 = tpu.memref_squeeze %dma_wait3A_335 : memref<1x128x128xf32, #tpu.memory_space<vmem>> -> memref<128x128xf32, #tpu.memory_space<vmem>>
    %dma_wait3A_337 = arith.constant 0 : i32
    %dma_wait3A_338 = tpu.memref_slice %arg8[%dma_wait3A_331, %dma_wait3A_337] : memref<8x128xi32, #tpu.memory_space<vmem>> -> memref<1x128xi32, #tpu.memory_space<vmem>>
    %dma_wait3A_339 = tpu.memref_squeeze %dma_wait3A_338 : memref<1x128xi32, #tpu.memory_space<vmem>> -> memref<128xi32, #tpu.memory_space<vmem>>
    %dma_wait3A_340 = arith.constant 0 : i32
    %dma_wait3A_341 = arith.constant 0 : i32
    %dma_wait3A_342 = tpu.memref_slice %arg5[%dma_wait3A_340, %dma_wait3A_341] : memref<1000000x128xf32, #tpu.memory_space<hbm>> -> memref<1000000x128xf32, #tpu.memory_space<hbm>>
    tpu.wait_indirect_dma semaphore(%arg10 : memref<!tpu.dma_semaphore, #tpu.memory_space<semaphore_mem>>) src(%dma_wait3A_342 : memref<1000000x128xf32, #tpu.memory_space<hbm>>) dst(%dma_wait3A_336 : memref<128x128xf32, #tpu.memory_space<vmem>>)
    %add3A_343 = arith.constant 7 : i32
    %add3A_344 = arith.addi %mul3A_2, %add3A_343 : i32
    %sub3A_345 = arith.constant 4 : i32
    %sub3A_346 = arith.subi %add3A_344, %sub3A_345 : i32
    %mul3A_347 = arith.constant 128 : i32
    %mul3A_348 = arith.muli %sub3A_346, %mul3A_347 : i32
    %dma_start3A_349 = arith.constant 1 : i32
    %dma_start3A_350 = arith.constant 0 : i32
    %dma_start3A_351 = arith.constant 0 : i32
    %dma_start3A_352 = tpu.memref_slice %arg9[%dma_start3A_349, %dma_start3A_350, %dma_start3A_351] : memref<6x128x128xf32, #tpu.memory_space<vmem>> -> memref<1x128x128xf32, #tpu.memory_space<vmem>>
    %dma_start3A_353 = tpu.memref_squeeze %dma_start3A_352 : memref<1x128x128xf32, #tpu.memory_space<vmem>> -> memref<128x128xf32, #tpu.memory_space<vmem>>
    %dma_start3A_354 = arith.constant 0 : i32
    %dma_start3A_355 = tpu.memref_slice %arg7[%mul3A_348, %dma_start3A_354] : memref<16384x128xf32, #tpu.memory_space<hbm>> -> memref<128x128xf32, #tpu.memory_space<hbm>>
    %dma_start3A_356 = arith.constant 0 : i32
    %dma_start3A_357 = tpu.memref_slice %arg7[%mul3A_348, %dma_start3A_356] : memref<16384x128xf32, #tpu.memory_space<hbm>> -> memref<128x128xf32, #tpu.memory_space<hbm>>
    %dma_start3A_358 = arith.constant 0 : i32
    %dma_start3A_359 = arith.constant 0 : i32
    %dma_start3A_360 = tpu.memref_slice %arg9[%dma_start3A_349, %dma_start3A_358, %dma_start3A_359] : memref<6x128x128xf32, #tpu.memory_space<vmem>> -> memref<1x128x128xf32, #tpu.memory_space<vmem>>
    %dma_start3A_361 = tpu.memref_squeeze %dma_start3A_360 : memref<1x128x128xf32, #tpu.memory_space<vmem>> -> memref<128x128xf32, #tpu.memory_space<vmem>>
    tpu.enqueue_dma source(%dma_start3A_361 : memref<128x128xf32, #tpu.memory_space<vmem>>) target(%dma_start3A_357 : memref<128x128xf32, #tpu.memory_space<hbm>>) target_semaphore(%arg11 : memref<!tpu.dma_semaphore, #tpu.memory_space<semaphore_mem>>)
    %dma_wait3A_362 = arith.constant 2 : i32
    %dma_wait3A_363 = arith.constant 0 : i32
    %dma_wait3A_364 = arith.constant 0 : i32
    %dma_wait3A_365 = tpu.memref_slice %arg9[%dma_wait3A_362, %dma_wait3A_363, %dma_wait3A_364] : memref<6x128x128xf32, #tpu.memory_space<vmem>> -> memref<1x128x128xf32, #tpu.memory_space<vmem>>
    %dma_wait3A_366 = tpu.memref_squeeze %dma_wait3A_365 : memref<1x128x128xf32, #tpu.memory_space<vmem>> -> memref<128x128xf32, #tpu.memory_space<vmem>>
    %dma_wait3A_367 = arith.constant 0 : i32
    %dma_wait3A_368 = tpu.memref_slice %arg6[%mul3A_196, %dma_wait3A_367] : memref<16384x128xf32, #tpu.memory_space<hbm>> -> memref<128x128xf32, #tpu.memory_space<hbm>>
    %dma_wait3A_369 = arith.constant 0 : i32
    %dma_wait3A_370 = tpu.memref_slice %arg6[%mul3A_196, %dma_wait3A_369] : memref<16384x128xf32, #tpu.memory_space<hbm>> -> memref<128x128xf32, #tpu.memory_space<hbm>>
    %dma_wait3A_371 = arith.constant 0 : i32
    %dma_wait3A_372 = arith.constant 0 : i32
    %dma_wait3A_373 = tpu.memref_slice %arg9[%dma_wait3A_362, %dma_wait3A_371, %dma_wait3A_372] : memref<6x128x128xf32, #tpu.memory_space<vmem>> -> memref<1x128x128xf32, #tpu.memory_space<vmem>>
    %dma_wait3A_374 = tpu.memref_squeeze %dma_wait3A_373 : memref<1x128x128xf32, #tpu.memory_space<vmem>> -> memref<128x128xf32, #tpu.memory_space<vmem>>
    tpu.wait_dma2 semaphore(%arg11 : memref<!tpu.dma_semaphore, #tpu.memory_space<semaphore_mem>>) src(%dma_wait3A_374 : memref<128x128xf32, #tpu.memory_space<vmem>>) dst(%dma_wait3A_370 : memref<128x128xf32, #tpu.memory_space<hbm>>)
    %dma_wait3A_375 = arith.constant 3 : i32
    %dma_wait3A_376 = arith.constant 0 : i32
    %dma_wait3A_377 = arith.constant 0 : i32
    %dma_wait3A_378 = tpu.memref_slice %arg9[%dma_wait3A_375, %dma_wait3A_376, %dma_wait3A_377] : memref<6x128x128xf32, #tpu.memory_space<vmem>> -> memref<1x128x128xf32, #tpu.memory_space<vmem>>
    %dma_wait3A_379 = tpu.memref_squeeze %dma_wait3A_378 : memref<1x128x128xf32, #tpu.memory_space<vmem>> -> memref<128x128xf32, #tpu.memory_space<vmem>>
    %dma_wait3A_380 = arith.constant 0 : i32
    %dma_wait3A_381 = tpu.memref_slice %arg6[%mul3A_225, %dma_wait3A_380] : memref<16384x128xf32, #tpu.memory_space<hbm>> -> memref<128x128xf32, #tpu.memory_space<hbm>>
    %dma_wait3A_382 = arith.constant 0 : i32
    %dma_wait3A_383 = tpu.memref_slice %arg6[%mul3A_225, %dma_wait3A_382] : memref<16384x128xf32, #tpu.memory_space<hbm>> -> memref<128x128xf32, #tpu.memory_space<hbm>>
    %dma_wait3A_384 = arith.constant 0 : i32
    %dma_wait3A_385 = arith.constant 0 : i32
    %dma_wait3A_386 = tpu.memref_slice %arg9[%dma_wait3A_375, %dma_wait3A_384, %dma_wait3A_385] : memref<6x128x128xf32, #tpu.memory_space<vmem>> -> memref<1x128x128xf32, #tpu.memory_space<vmem>>
    %dma_wait3A_387 = tpu.memref_squeeze %dma_wait3A_386 : memref<1x128x128xf32, #tpu.memory_space<vmem>> -> memref<128x128xf32, #tpu.memory_space<vmem>>
    tpu.wait_dma2 semaphore(%arg11 : memref<!tpu.dma_semaphore, #tpu.memory_space<semaphore_mem>>) src(%dma_wait3A_387 : memref<128x128xf32, #tpu.memory_space<vmem>>) dst(%dma_wait3A_383 : memref<128x128xf32, #tpu.memory_space<hbm>>)
    %dma_wait3A_388 = arith.constant 4 : i32
    %dma_wait3A_389 = arith.constant 0 : i32
    %dma_wait3A_390 = arith.constant 0 : i32
    %dma_wait3A_391 = tpu.memref_slice %arg9[%dma_wait3A_388, %dma_wait3A_389, %dma_wait3A_390] : memref<6x128x128xf32, #tpu.memory_space<vmem>> -> memref<1x128x128xf32, #tpu.memory_space<vmem>>
    %dma_wait3A_392 = tpu.memref_squeeze %dma_wait3A_391 : memref<1x128x128xf32, #tpu.memory_space<vmem>> -> memref<128x128xf32, #tpu.memory_space<vmem>>
    %dma_wait3A_393 = arith.constant 0 : i32
    %dma_wait3A_394 = tpu.memref_slice %arg7[%mul3A_255, %dma_wait3A_393] : memref<16384x128xf32, #tpu.memory_space<hbm>> -> memref<128x128xf32, #tpu.memory_space<hbm>>
    %dma_wait3A_395 = arith.constant 0 : i32
    %dma_wait3A_396 = tpu.memref_slice %arg7[%mul3A_255, %dma_wait3A_395] : memref<16384x128xf32, #tpu.memory_space<hbm>> -> memref<128x128xf32, #tpu.memory_space<hbm>>
    %dma_wait3A_397 = arith.constant 0 : i32
    %dma_wait3A_398 = arith.constant 0 : i32
    %dma_wait3A_399 = tpu.memref_slice %arg9[%dma_wait3A_388, %dma_wait3A_397, %dma_wait3A_398] : memref<6x128x128xf32, #tpu.memory_space<vmem>> -> memref<1x128x128xf32, #tpu.memory_space<vmem>>
    %dma_wait3A_400 = tpu.memref_squeeze %dma_wait3A_399 : memref<1x128x128xf32, #tpu.memory_space<vmem>> -> memref<128x128xf32, #tpu.memory_space<vmem>>
    tpu.wait_dma2 semaphore(%arg11 : memref<!tpu.dma_semaphore, #tpu.memory_space<semaphore_mem>>) src(%dma_wait3A_400 : memref<128x128xf32, #tpu.memory_space<vmem>>) dst(%dma_wait3A_396 : memref<128x128xf32, #tpu.memory_space<hbm>>)
    %dma_wait3A_401 = arith.constant 5 : i32
    %dma_wait3A_402 = arith.constant 0 : i32
    %dma_wait3A_403 = arith.constant 0 : i32
    %dma_wait3A_404 = tpu.memref_slice %arg9[%dma_wait3A_401, %dma_wait3A_402, %dma_wait3A_403] : memref<6x128x128xf32, #tpu.memory_space<vmem>> -> memref<1x128x128xf32, #tpu.memory_space<vmem>>
    %dma_wait3A_405 = tpu.memref_squeeze %dma_wait3A_404 : memref<1x128x128xf32, #tpu.memory_space<vmem>> -> memref<128x128xf32, #tpu.memory_space<vmem>>
    %dma_wait3A_406 = arith.constant 0 : i32
    %dma_wait3A_407 = tpu.memref_slice %arg7[%mul3A_286, %dma_wait3A_406] : memref<16384x128xf32, #tpu.memory_space<hbm>> -> memref<128x128xf32, #tpu.memory_space<hbm>>
    %dma_wait3A_408 = arith.constant 0 : i32
    %dma_wait3A_409 = tpu.memref_slice %arg7[%mul3A_286, %dma_wait3A_408] : memref<16384x128xf32, #tpu.memory_space<hbm>> -> memref<128x128xf32, #tpu.memory_space<hbm>>
    %dma_wait3A_410 = arith.constant 0 : i32
    %dma_wait3A_411 = arith.constant 0 : i32
    %dma_wait3A_412 = tpu.memref_slice %arg9[%dma_wait3A_401, %dma_wait3A_410, %dma_wait3A_411] : memref<6x128x128xf32, #tpu.memory_space<vmem>> -> memref<1x128x128xf32, #tpu.memory_space<vmem>>
    %dma_wait3A_413 = tpu.memref_squeeze %dma_wait3A_412 : memref<1x128x128xf32, #tpu.memory_space<vmem>> -> memref<128x128xf32, #tpu.memory_space<vmem>>
    tpu.wait_dma2 semaphore(%arg11 : memref<!tpu.dma_semaphore, #tpu.memory_space<semaphore_mem>>) src(%dma_wait3A_413 : memref<128x128xf32, #tpu.memory_space<vmem>>) dst(%dma_wait3A_409 : memref<128x128xf32, #tpu.memory_space<hbm>>)
    %dma_wait3A_414 = arith.constant 0 : i32
    %dma_wait3A_415 = arith.constant 0 : i32
    %dma_wait3A_416 = arith.constant 0 : i32
    %dma_wait3A_417 = tpu.memref_slice %arg9[%dma_wait3A_414, %dma_wait3A_415, %dma_wait3A_416] : memref<6x128x128xf32, #tpu.memory_space<vmem>> -> memref<1x128x128xf32, #tpu.memory_space<vmem>>
    %dma_wait3A_418 = tpu.memref_squeeze %dma_wait3A_417 : memref<1x128x128xf32, #tpu.memory_space<vmem>> -> memref<128x128xf32, #tpu.memory_space<vmem>>
    %dma_wait3A_419 = arith.constant 0 : i32
    %dma_wait3A_420 = tpu.memref_slice %arg7[%mul3A_317, %dma_wait3A_419] : memref<16384x128xf32, #tpu.memory_space<hbm>> -> memref<128x128xf32, #tpu.memory_space<hbm>>
    %dma_wait3A_421 = arith.constant 0 : i32
    %dma_wait3A_422 = tpu.memref_slice %arg7[%mul3A_317, %dma_wait3A_421] : memref<16384x128xf32, #tpu.memory_space<hbm>> -> memref<128x128xf32, #tpu.memory_space<hbm>>
    %dma_wait3A_423 = arith.constant 0 : i32
    %dma_wait3A_424 = arith.constant 0 : i32
    %dma_wait3A_425 = tpu.memref_slice %arg9[%dma_wait3A_414, %dma_wait3A_423, %dma_wait3A_424] : memref<6x128x128xf32, #tpu.memory_space<vmem>> -> memref<1x128x128xf32, #tpu.memory_space<vmem>>
    %dma_wait3A_426 = tpu.memref_squeeze %dma_wait3A_425 : memref<1x128x128xf32, #tpu.memory_space<vmem>> -> memref<128x128xf32, #tpu.memory_space<vmem>>
    tpu.wait_dma2 semaphore(%arg11 : memref<!tpu.dma_semaphore, #tpu.memory_space<semaphore_mem>>) src(%dma_wait3A_426 : memref<128x128xf32, #tpu.memory_space<vmem>>) dst(%dma_wait3A_422 : memref<128x128xf32, #tpu.memory_space<hbm>>)
    %dma_wait3A_427 = arith.constant 1 : i32
    %dma_wait3A_428 = arith.constant 0 : i32
    %dma_wait3A_429 = arith.constant 0 : i32
    %dma_wait3A_430 = tpu.memref_slice %arg9[%dma_wait3A_427, %dma_wait3A_428, %dma_wait3A_429] : memref<6x128x128xf32, #tpu.memory_space<vmem>> -> memref<1x128x128xf32, #tpu.memory_space<vmem>>
    %dma_wait3A_431 = tpu.memref_squeeze %dma_wait3A_430 : memref<1x128x128xf32, #tpu.memory_space<vmem>> -> memref<128x128xf32, #tpu.memory_space<vmem>>
    %dma_wait3A_432 = arith.constant 0 : i32
    %dma_wait3A_433 = tpu.memref_slice %arg7[%mul3A_348, %dma_wait3A_432] : memref<16384x128xf32, #tpu.memory_space<hbm>> -> memref<128x128xf32, #tpu.memory_space<hbm>>
    %dma_wait3A_434 = arith.constant 0 : i32
    %dma_wait3A_435 = tpu.memref_slice %arg7[%mul3A_348, %dma_wait3A_434] : memref<16384x128xf32, #tpu.memory_space<hbm>> -> memref<128x128xf32, #tpu.memory_space<hbm>>
    %dma_wait3A_436 = arith.constant 0 : i32
    %dma_wait3A_437 = arith.constant 0 : i32
    %dma_wait3A_438 = tpu.memref_slice %arg9[%dma_wait3A_427, %dma_wait3A_436, %dma_wait3A_437] : memref<6x128x128xf32, #tpu.memory_space<vmem>> -> memref<1x128x128xf32, #tpu.memory_space<vmem>>
    %dma_wait3A_439 = tpu.memref_squeeze %dma_wait3A_438 : memref<1x128x128xf32, #tpu.memory_space<vmem>> -> memref<128x128xf32, #tpu.memory_space<vmem>>
    tpu.wait_dma2 semaphore(%arg11 : memref<!tpu.dma_semaphore, #tpu.memory_space<semaphore_mem>>) src(%dma_wait3A_439 : memref<128x128xf32, #tpu.memory_space<vmem>>) dst(%dma_wait3A_435 : memref<128x128xf32, #tpu.memory_space<hbm>>)
    return
  }
}

module attributes {stable_mosaic.version = 14 : i64} {
  func.func @_mlp_body(%arg0: i32, %arg1: memref<2048x128xf32, #tpu.memory_space<vmem>>, %arg2: memref<2048x128xf32, #tpu.memory_space<vmem>>, %arg3: memref<256x256xbf16, #tpu.memory_space<vmem>>, %arg4: memref<1x256xf32, #tpu.memory_space<vmem>>, %arg5: memref<1x256xbf16, #tpu.memory_space<vmem>>, %arg6: memref<1x1xf32, #tpu.memory_space<vmem>>, %arg7: memref<1x2048xf32, #tpu.memory_space<vmem>>) attributes {dimension_semantics = [#tpu.dimension_semantics<arbitrary>], iteration_bounds = array<i64: 8>, scalar_prefetch = 0 : i64, scratch_operands = 0 : i64, tpu.core_type = #tpu.core_type<tc>, window_params = [{transform_indices = @transform_0, window_bounds = array<i64: 2048, 128>}, {transform_indices = @transform_1, window_bounds = array<i64: 2048, 128>}, {pipeline_mode = #tpu.pipeline_mode<synchronous>, transform_indices = @transform_2, window_bounds = array<i64: 256, 256>}, {pipeline_mode = #tpu.pipeline_mode<synchronous>, transform_indices = @transform_3, window_bounds = array<i64: 1, 256>}, {pipeline_mode = #tpu.pipeline_mode<synchronous>, transform_indices = @transform_4, window_bounds = array<i64: 1, 256>}, {pipeline_mode = #tpu.pipeline_mode<synchronous>, transform_indices = @transform_5, window_bounds = array<i64: 1, 1>}, {transform_indices = @transform_6, window_bounds = array<i64: 1, 2048>}]} {
    %get3A = arith.constant 0 : index
    %get3A_0 = arith.constant 0 : index
    %get3A_1 = vector.load %arg1[%get3A, %get3A_0] : memref<2048x128xf32, #tpu.memory_space<vmem>>, vector<2048x128xf32>
    %convert_element_type3A = arith.truncf %get3A_1 : vector<2048x128xf32> to vector<2048x128xbf16>
    %get3A_2 = arith.constant 0 : index
    %get3A_3 = arith.constant 0 : index
    %get3A_4 = vector.load %arg2[%get3A_2, %get3A_3] : memref<2048x128xf32, #tpu.memory_space<vmem>>, vector<2048x128xf32>
    %convert_element_type3A_5 = arith.truncf %get3A_4 : vector<2048x128xf32> to vector<2048x128xbf16>
    %concatenate3A = tpu.concatenate %convert_element_type3A, %convert_element_type3A_5 in 1 : vector<2048x128xbf16>, vector<2048x128xbf16> -> vector<2048x256xbf16>
    %get3A_6 = arith.constant 0 : index
    %get3A_7 = arith.constant 0 : index
    %get3A_8 = vector.load %arg3[%get3A_6, %get3A_7] : memref<256x256xbf16, #tpu.memory_space<vmem>>, vector<256x256xbf16>
    %dot_general3A = arith.constant dense<0.000000e+00> : vector<2048x256xf32>
    %dot_general3A_9 = tpu.matmul %concatenate3A, %get3A_8, %dot_general3A {dimension_numbers = #tpu.dot_dimension_numbers<[1], [0], [0], [1], [0, 0, 1, 1], [], []>, transpose_lhs_hint = false} : vector<2048x256xbf16>, vector<256x256xbf16>, vector<2048x256xf32> -> vector<2048x256xf32>
    %get3A_10 = arith.constant 0 : index
    %get3A_11 = arith.constant 0 : index
    %get3A_12 = vector.load %arg4[%get3A_10, %get3A_11] : memref<1x256xf32, #tpu.memory_space<vmem>>, vector<1x256xf32>
    %add3A = vector.broadcast %get3A_12 : vector<1x256xf32> to vector<2048x256xf32>
    %add3A_13 = arith.addf %dot_general3A_9, %add3A : vector<2048x256xf32>
    %max3A = arith.constant 0.000000e+00 : f32
    %max3A_14 = vector.broadcast %max3A : f32 to vector<2048x256xf32>
    %max3A_15 = arith.maximumf %add3A_13, %max3A_14 : vector<2048x256xf32>
    %get3A_16 = arith.constant 0 : index
    %get3A_17 = arith.constant 0 : index
    %get3A_18 = vector.load %arg5[%get3A_16, %get3A_17] : memref<1x256xbf16, #tpu.memory_space<vmem>>, vector<1x256xbf16>
    %convert_element_type3A_19 = arith.truncf %max3A_15 : vector<2048x256xf32> to vector<2048x256xbf16>
    %dot_general3A_20 = arith.constant dense<0.000000e+00> : vector<1x2048xf32>
    %dot_general3A_21 = tpu.matmul %get3A_18, %convert_element_type3A_19, %dot_general3A_20 {dimension_numbers = #tpu.dot_dimension_numbers<[1], [1], [0], [0], [0, 0, 1, 0], [], []>, transpose_lhs_hint = false} : vector<1x256xbf16>, vector<2048x256xbf16>, vector<1x2048xf32> -> vector<1x2048xf32>
    %get3A_22 = arith.constant 0 : index
    %get3A_23 = arith.constant 0 : index
    %get3A_24 = vector.load %arg6[%get3A_22, %get3A_23] : memref<1x1xf32, #tpu.memory_space<vmem>>, vector<1x1xf32>
    %add3A_25 = vector.broadcast %get3A_24 : vector<1x1xf32> to vector<1x2048xf32>
    %add3A_26 = arith.addf %dot_general3A_21, %add3A_25 : vector<1x2048xf32>
    %swap3A = arith.constant 0 : index
    %swap3A_27 = arith.constant 0 : index
    %swap3A_28 = vector.load %arg7[%swap3A, %swap3A_27] : memref<1x2048xf32, #tpu.memory_space<vmem>>, vector<1x2048xf32>
    tpu.vector_store %arg7[%swap3A, %swap3A_27], %add3A_26 {strides = array<i32>} : memref<1x2048xf32, #tpu.memory_space<vmem>>, vector<1x2048xf32>,
    return
  }
  func.func @transform_0(%arg0: i32) -> (i32, i32) {
    %c0_i32 = arith.constant 0 : i32
    %c0_i32_0 = arith.constant 0 : i32
    return %arg0, %c0_i32 : i32, i32
  }
  func.func @transform_1(%arg0: i32) -> (i32, i32) {
    %c0_i32 = arith.constant 0 : i32
    %c0_i32_0 = arith.constant 0 : i32
    return %arg0, %c0_i32 : i32, i32
  }
  func.func @transform_2(%arg0: i32) -> (i32, i32) {
    %c0_i32 = arith.constant 0 : i32
    %c0_i32_0 = arith.constant 0 : i32
    %c0_i32_1 = arith.constant 0 : i32
    return %c0_i32, %c0_i32_0 : i32, i32
  }
  func.func @transform_3(%arg0: i32) -> (i32, i32) {
    %c0_i32 = arith.constant 0 : i32
    %c0_i32_0 = arith.constant 0 : i32
    %c0_i32_1 = arith.constant 0 : i32
    return %c0_i32, %c0_i32_0 : i32, i32
  }
  func.func @transform_4(%arg0: i32) -> (i32, i32) {
    %c0_i32 = arith.constant 0 : i32
    %c0_i32_0 = arith.constant 0 : i32
    %c0_i32_1 = arith.constant 0 : i32
    return %c0_i32, %c0_i32_0 : i32, i32
  }
  func.func @transform_5(%arg0: i32) -> (i32, i32) {
    %c0_i32 = arith.constant 0 : i32
    %c0_i32_0 = arith.constant 0 : i32
    %c0_i32_1 = arith.constant 0 : i32
    return %c0_i32, %c0_i32_0 : i32, i32
  }
  func.func @transform_6(%arg0: i32) -> (i32, i32) {
    %c0_i32 = arith.constant 0 : i32
    %c0_i32_0 = arith.constant 0 : i32
    return %c0_i32, %arg0 : i32, i32
  }
}

</mosaic_0001>

<sc_bundles>
// kernel: kernel.4.cloned.1.call-start
scs
__scs_entry_jumppad:
0x0: {  	(pc) =	sbr.rel $0x88, $3  }
0x1: {  	(tag) =	ssettag $0x0;
	lr =	simm.s32 $0x1  }
0x2: {  	[smem:$0x3F99] =	sst lr;
	_ =	strace $0xD0000000  }
0x3: {  	_ = 	snop  }
0x4: {  	_ = 	snop  }
0x5: {  	_ = 	snop  }
0x6: {  	_ = 	snop  }
0x7: {  	_ = 	snop  }
__scs_overlays_trampoline_lowered:
0x8: {  	[smem:$0x3FA8] =	sst s0  }
0x9: {  	[smem:$0x3FA9] =	sst s1  }
0xa: {  	[smem:$0x3FAA] =	sst s2  }
0xb: {  	[smem:$0x3FAB] =	sst s3  }
0xc: {  	[smem:$0x3FAC] =	sst s4  }
0xd: {  	[smem:$0x3FAD] =	sst s5  }
0xe: {  	[smem:$0x3FAE] =	sst s6  }
0xf: {  	[smem:$0x3FAF] =	sst s7  }
0x10: {  	[smem:$0x3FB0] =	sst s8  }
0x11: {  	[smem:$0x3FB1] =	sst s9;
	s0 =	simm.s32 @!p0 $0x0  }
0x12: {  	s1 =	sld [smem:$0x3F97];
	s0 =	simm.s32 @p0 $0x1  }
0x13: {  	[smem:$0x3FB2] =	sst s0;
	s0 =	simm.s32 @!p1 $0x0  }
0x14: {  	s2 =	sld [smem:$0x3F96];
	s0 =	simm.s32 @p1 $0x1  }
0x15: {  	[smem:$0x3FB3] =	sst s0;
	s0 =	simm.s32 @!p2 $0x0  }
0x16: {  	s3 =	sld [smem:$0x3FDB];
	s0 =	simm.s32 @p2 $0x1  }
0x17: {  	s4 =	simm.s32 $0x1BF5;
	[smem:$0x3FB5] =	sst s0  }
0x18: {  	s0 =	sld [smem:$0x3F98];
	_ =	swait.ge [sflag:s4], $0x0  }
0x19: {  	s7 =	sld [smem:$0x3F99]  }
0x1a: {  	s8 =	sadd.s32 $0xFFFFE003, lr  }
0x1b: {  	s9 =	sadd.s32 $0xFFFFFEF7, lr;
	s5 =	simm.s32 $0xFFFFFFFF;
	p2 =	slt.u32 s8, $0xFFFFF086  }
0x1c: {  	p1 =	slt.u32 s9, $0xF7A;
	s5 =	simm.s32 @!p2 $0x0  }
0x1d: {  	s5 =	simm.s32 @p1 $0x1;
	p0 =	seq.s32 s7, s2  }
0x1e: {  	s7 =	smul.u32 @!p0 $0xF7A, s2;
	p2 =	seq.s32 @!p0 s5, $0x0  }
0x1f: {  	s9 =	smul.u32 $0xF7A, s1;
	s8 =	simm.s32 @!p0 $0x1BF5;
	p2 =	por !p2, p0  }
0x20: {  	[sflag:s8] =	ssyncset.s32 @!p0 $0xFFFFF086;
	s6 =	sadd.s32 @!p0 s3, s7;
	s7 =	simm.s32 @!p0 $0x108  }
0x21: {  	s3 =	sadd.s32 s3, s9;
	s6 =	sadd.s32 @!p0 $0x88, s6;
	s7 =	simm.s32 @p2 $0x1082  }
0x22: {  	[simem:s7], [sflag:s8] =	dma.local @!p0 [hbm:s6], $0xF7A  }
0x23: {  	s9 =	sor.u32 $0xD0000000, s2;
	s6 =	simm.s32 $0x108;
	_ =	swait.ge @!p0 [sflag:s8], $0x0  }
0x24: {  	s3 =	sadd.s32 $0x88, s3;
	s6 =	simm.s32 @!p1 $0x1082;
	[sflag:s4] =	ssyncset.s32 $0xFFFFF086  }
0x25: {  	[simem:s6], [sflag:s4] =	dma.local [hbm:s3], $0xF7A  }
0x26: {  	[smem:$0x3F99] =	sst s1;
	(tag) =	ssettag s2;
	_ =	strace s9  }
0x27: {  	s1 =	sld [smem:$0x3FA9]  }
0x28: {  	s2 =	sld [smem:$0x3FAA]  }
0x29: {  	s4 =	sld [smem:$0x3FAC]  }
0x2a: {  	p0 =	seq.s32 s5, $0x0;
	s5 =	sld [smem:$0x3FAD]  }
0x2b: {  	s6 =	sld [smem:$0x3FAE]  }
0x2c: {  	s7 =	sld [smem:$0x3FAF]  }
0x2d: {  	s3 =	simm.s32 $0x108;
	s8 =	sld [smem:$0x3FB0]  }
0x2e: {  	s3 =	simm.s32 @!p0 $0x1082;
	s9 =	sld [smem:$0x3FB1]  }
0x2f: {  	lr =	sadd.s32 s0, s3;
	s0 =	sld [smem:$0x3FA8]  }
0x30: {  	s3 =	sld [smem:$0x3FAB]  }
0x31: {  	[smem:$0x3FB4] =	sst s10  }
0x32: {  	s10 =	sld [smem:$0x3FB2];
	_ =	sdelay $0x3  }
0x33: {  	p0 =	seq.s32 s10, $0x1;
	s10 =	sld [smem:$0x3FB4];
	_ =	sdelay $0x3  }
0x34: {  	[smem:$0x3FB4] =	sst s10  }
0x35: {  	s10 =	sld [smem:$0x3FB3];
	_ =	sdelay $0x3  }
0x36: {  	p1 =	seq.s32 s10, $0x1;
	s10 =	sld [smem:$0x3FB4];
	_ =	sdelay $0x3  }
0x37: {  	[smem:$0x3FB4] =	sst s10  }
0x38: {  	s10 =	sld [smem:$0x3FB5]  }
0x39: {  	_ = 	snop;
	(pc) =	sbr.ind lr, $3  }
0x3a: {  	_ = 	snop  }
0x3b: {  	_ = 	snop  }
0x3c: {  	p2 =	seq.s32 s10, $0x1;
	s10 =	sld [smem:$0x3FB4]  }
0x3d: {  	_ =	shalt  }
0x3e: {  	_ =	shalt  }
0x3f: {  	_ =	shalt  }
0x40: {  	_ =	shalt  }
0x41: {  	_ =	shalt  }
0x42: {  	_ =	shalt  }
0x43: {  	_ =	shalt  }
0x44: {  	_ =	shalt  }
0x45: {  	_ =	shalt  }
0x46: {  	_ =	shalt  }
0x47: {  	_ =	shalt  }
0x48: {  	_ =	shalt  }
0x49: {  	_ =	shalt  }
0x4a: {  	_ =	shalt  }
0x4b: {  	_ =	shalt  }
0x4c: {  	_ =	shalt  }
0x4d: {  	_ =	shalt  }
0x4e: {  	_ =	shalt  }
0x4f: {  	_ =	shalt  }
0x50: {  	_ =	shalt  }
0x51: {  	_ =	shalt  }
0x52: {  	_ =	shalt  }
0x53: {  	_ =	shalt  }
0x54: {  	_ =	shalt  }
0x55: {  	_ =	shalt  }
0x56: {  	_ =	shalt  }
0x57: {  	_ =	shalt  }
0x58: {  	_ =	shalt  }
0x59: {  	_ =	shalt  }
0x5a: {  	_ =	shalt  }
0x5b: {  	_ =	shalt  }
0x5c: {  	_ =	shalt  }
0x5d: {  	_ =	shalt  }
0x5e: {  	_ =	shalt  }
0x5f: {  	_ =	shalt  }
0x60: {  	_ =	shalt  }
0x61: {  	_ =	shalt  }
0x62: {  	_ =	shalt  }
0x63: {  	_ =	shalt  }
0x64: {  	_ =	shalt  }
0x65: {  	_ =	shalt  }
0x66: {  	_ =	shalt  }
0x67: {  	_ =	shalt  }
0x68: {  	_ =	shalt  }
0x69: {  	_ =	shalt  }
0x6a: {  	_ =	shalt  }
0x6b: {  	_ =	shalt  }
0x6c: {  	_ =	shalt  }
0x6d: {  	_ =	shalt  }
0x6e: {  	_ =	shalt  }
0x6f: {  	_ =	shalt  }
0x70: {  	_ =	shalt  }
0x71: {  	_ =	shalt  }
0x72: {  	_ =	shalt  }
0x73: {  	_ =	shalt  }
0x74: {  	_ =	shalt  }
0x75: {  	_ =	shalt  }
0x76: {  	_ =	shalt  }
0x77: {  	_ =	shalt  }
0x78: {  	_ =	shalt  }
0x79: {  	_ =	shalt  }
0x7a: {  	_ =	shalt  }
0x7b: {  	_ =	shalt  }
0x7c: {  	_ =	shalt  }
0x7d: {  	_ =	shalt  }
0x7e: {  	_ =	shalt  }
0x7f: {  	_ =	shalt  }
0x80: {  	_ =	shalt  }
0x81: {  	_ =	shalt  }
0x82: {  	_ =	shalt  }
0x83: {  	_ =	shalt  }
0x84: {  	_ =	shalt  }
0x85: {  	_ =	shalt  }
0x86: {  	_ =	shalt  }
0x87: {  	_ =	shalt  }
.Lfunc_end0:
.L_simem_size_0:
called_computation_lowered:
.L_overlay_start_0:
0x88: {  	s2 =	sld [smem:$0x3FD9]  }
0x89: {  	s3 =	sld [smem:$0x3FFE];
	_ =	sdelay $0x1  }
0x8a: {  	s1 =	srdreg.scid  }
0x8b: {  	s0 =	sand.u32 $0x1, s1  }
0x8c: {  	s17 =	sshll.u32 s0, $0xA;
	s2 =	sadd.s32 s3, s2  }
0x8d: {  	s2 =	sadd.s32 s2, s17  }
0x8e: {  	[smem:$0x3FC0] =	sst s2  }
0x8f: {  	_ = 	snop  }
0x90: {  	s2 =	sld [smem:$0x3FC9]  }
0x91: {  	s18 =	sld [smem:$0x3FC8]  }
0x92: {  	s4 =	sld [smem:$0x3FC7]  }
0x93: {  	s5 =	sld [smem:$0x3FC6];
	(tm) =	ssettm $0x1  }
0x94: {  	s6 =	sld [smem:$0x3FFB];
	_ =	sdelay $0x3  }
0x95: {  	_ =	strace s6  }
0x96: {  	s6 =	sld [smem:$0x3FFC];
	_ =	sdelay $0x3  }
0x97: {  	_ =	strace s6  }
0x98: {  	s6 =	sld [smem:$0x3FFD];
	_ =	sdelay $0x3  }
0x99: {  	_ =	strace s6  }
0x9a: {  	_ =	strace $0x8FFFFFFF  }
0x9b: {  	s19 =	sld [smem:$0x3FDB];
	_ =	sdelay $0x1  }
0x9c: {  	s7 =	simm.s32 $_scs_section_size  }
0x9d: {  	s8 =	simm.s32 $_size__tile_overlayer_lowered;
	s9 =	simm.s32 $_tile_overlayer_lowered  }
0x9e: {  	s22 =	simm.s32 $0x1BFF;
	s21 =	sshll.u32 s9, $0x1;
	s6 =	sadd.s32 s7, s19  }
0x9f: {  	s10 =	simm.s32 $0x0;
	s20 =	sshll.u32 s8, $0x1;
	s8 =	sadd.s32 s21, s6  }
0xa0: {  	[timem:s10], [sflag:s22] =	dma.local [hbm:s8], s20  }
0xa1: {  	_ =	swait.ge [sflag:s22], s20  }
0xa2: {  	s7 =	ssub.s32 $0x0, s20;
	[sflag:s22] =	ssyncset.done $0x0  }
0xa3: {  	[sflag:s22] =	ssyncadd.s32 s7;
	_ =	sdelay $0x1  }
0xa4: {  	s23 =	simm.s32 $0x1B8B  }
0xa5: {  	_ =	swait.ge [sflag:s23], $0x1  }
0xa6: {  	[sflag:s23] =	ssyncset.done $0x0  }
0xa7: {  	s25 =	simm.s32 $0x1B8E;
	s24 =	sld [smem:$0x3FFE];
	[sflag:s23] =	ssyncadd.s32 $0xFFFFFFFF  }
0xa8: {  	s26 =	simm.s32 $execute0_lowered;
	[smem:$0x3FD2] =	sst s25  }
0xa9: {  	s8 =	sshll.u32 s26, $0x1;
	_ =	strace $0x80000046;
	[dreg:$0x1] =	wrdreg $0xFFFFFFFF  }
0xaa: {  	s28 =	simm.s32 $_size_execute0_lowered;
	s6 =	sadd.s32 s6, s8;
	[dreg:$0x0] =	wrdreg $0x0  }
0xab: {  	s8 =	sshll.u32 s28, $0x1;
	[dreg:$0x2] =	wrdreg s6  }
0xac: {  	[dreg:$0x3] =	wrdreg s8  }
0xad: {  	[dreg:$0x4] =	wrdreg $0xC0  }
0xae: {  	_ =	task [dreg:s10], $0x5FFFF  }
0xaf: {  	[dreg:$0x1] =	wrdreg $0xFFFFFFFF  }
0xb0: {  	[dreg:$0x0] =	wrdreg $0x60  }
0xb1: {  	[dreg:$0x2] =	wrdreg s2  }
0xb2: {  	[dreg:$0x3] =	wrdreg s18  }
0xb3: {  	[dreg:$0x4] =	wrdreg s4  }
0xb4: {  	[dreg:$0x5] =	wrdreg s5  }
0xb5: {  	[dreg:$0x6] =	wrdreg s24  }
0xb6: {  	[dreg:$0x7] =	wrdreg $0x9  }
0xb7: {  	_ =	task.clear_ibuf [dreg:s10], $0x8FFFF;
	_ =	strace $0x90000046  }
0xb8: {  	s29 =	simm.s32 $0x9;
	_ =	strace $0x80000048  }
0xb9: {  	_ =	swait.ge [sflag:s29], $0x1  }
0xba: {  	[sflag:s29] =	ssyncadd.s32 $0xFFFFFFFF  }
0xbb: {  	_ =	strace $0x90000048  }
0xbc: {  	_ =	sfence  }
0xbd: {  	s30 =	sld [smem:$0x0];
	_ =	sdelay $0x2  }
0xbe: {  	s31 =	sshll.u32 s1, $0xD;
	s1 =	sshrl.u32 s1, $0x2  }
0xbf: {  	s3 =	sand.u32 $0x4000, s31;
	s1 =	sadd.s32 s1, s30  }
0xc0: {  	s0 =	sor.u32 s3, s0;
	s1 =	sshll.u32 s1, $0x11  }
0xc1: {  	s0 =	sor.u32 s1, s0  }
0xc2: {  	s0 =	sadd.s32 $0x8F2B, s0  }
0xc3: {  	[sflag:s0] =	ssyncadd.remote.s32 $0x1  }
0xc4: {  	_ =	sfence.sel $0xFFFF  }
0xc5: {  	[dreg:$0x0] =	wrdreg $0xFFFFFFFF;
	(pc) =	sbr.abs _section_cstart, $3  }
0xc6: {  	[dreg:$0x1] =	wrdreg $0xFFFFFFFF  }
0xc7: {  	_ =	task.clear_ibuf [dreg:s10], $0x2FFFF;
	_ =	strace $0x9FFFFFFF  }
0xc8: {  	(tm) =	ssettm $0x7FFFFFFF  }
0xc9: {  	_ =	shalt  }
tec
execute0_lowered:
.L_overlay_start_1:
0x0: {  	(tag) =	ssettag $0x1  }
0x1: {  	s5 =	rddreg [dreg:$0x0]  }
0x2: {  	s6 =	rddreg [dreg:$0x1];
	s4 =	srdreg.scid  }
0x3: {  	s2 =	rddreg [dreg:$0x2];
	s0 =	stileid.u32;
	s31 =	sand.u32 $0x1, s4  }
0x4: {  	s3 =	rddreg [dreg:$0x3];
	s7 =	sshll.u32 s0, $0x7;
	s8 =	sshll.u32 s31, $0x6  }
0x5: {  	s26 =	rddreg [dreg:$0x4];
	s4 =	simm.s32 $0x0;
	s7 =	sor.u32 s8, s7  }
0x6: {  	[smem:$0x7FF] =	sst s4;
	s5 =	sadd.s32 s5, s7  }
0x7: {  	_ =	strace $0x80000047;
	[dreg:$0x6] =	wrdreg s5  }
0x8: {  	s5 =	simm.s32 $0x3;
	s25 =	rddreg [dreg:$0x6]  }
0x9: {  	[tilespmem:s4], [sflag:$0x3] =	stream.linear.gather [hbm4b:s25+s4], $0x200, $0x38;
	[tilespmem:$0x18400] =	vst v63  }
0xa: {  	_ =	swait.ge [sflag:s5], $0x200  }
0xb: {  	[sflag:s5] =	ssyncset.done $0x0  }
0xc: {  	s6 =	sadd.s32 s6, s7;
	s7 =	simm.s32 $0x200;
	[sflag:s5] =	ssyncadd.s32 $0xFFFFFE00  }
0xd: {  	[tilespmem:s7], [sflag:$0x3] =	stream.linear.gather [hbm4b:s6+s4], $0x200, $0x38;
	[tilespmem:$0x18400] =	vst v63  }
0xe: {  	_ =	swait.ge [sflag:s5], $0x200  }
0xf: {  	[sflag:s5] =	ssyncset.done $0x0  }
0x10: {  	s9 =	simm.s32 $0x400;
	s8 =	simm.s32 $0x80;
	[sflag:s5] =	ssyncadd.s32 $0xFFFFFE00  }
0x11: {  	[tilespmem:s9], [sflag:$0x1] =	stream.indirect.gather [hbm4b:s2+s8], $0x80, s4, s8, $0xb8;
	[tilespmem:$0x18400] =	vst v63  }
0x12: {  	s10 =	simm.s32 $0x4400  }
0x13: {  	[tilespmem:s10], [sflag:$0x1] =	stream.indirect.gather [hbm4b:s2+s8], $0x80, s8, s8, $0xb8;
	[tilespmem:$0x18400] =	vst v63  }
0x14: {  	s11 =	simm.s32 $0x100;
	s12 =	simm.s32 $0x8400  }
0x15: {  	[tilespmem:s12], [sflag:$0x1] =	stream.indirect.gather [hbm4b:s2+s8], $0x80, s11, s8, $0xb8;
	[tilespmem:$0x18400] =	vst v63  }
0x16: {  	s13 =	simm.s32 $0x180;
	s14 =	simm.s32 $0xC400  }
0x17: {  	[tilespmem:s14], [sflag:$0x1] =	stream.indirect.gather [hbm4b:s2+s8], $0x80, s13, s8, $0xb8;
	[tilespmem:$0x18400] =	vst v63  }
0x18: {  	s15 =	simm.s32 $0x10400  }
0x19: {  	[tilespmem:s15], [sflag:$0x1] =	stream.indirect.gather [hbm4b:s3+s8], $0x80, s7, s8, $0xb8;
	[tilespmem:$0x18400] =	vst v63  }
0x1a: {  	s16 =	simm.s32 $0x280;
	s17 =	simm.s32 $0x14400;
	s18 =	simm.s32 $0x1  }
0x1b: {  	[tilespmem:s17], [sflag:$0x1] =	stream.indirect.gather [hbm4b:s3+s8], $0x80, s16, s8, $0xb8;
	[tilespmem:$0x18400] =	vst v63  }
0x1c: {  	s19 =	sshll.u32 s0, $0xE;
	s20 =	sshll.u32 s31, $0xD;
	_ =	swait.ge [sflag:s18], $0x4000  }
0x1d: {  	s28 =	sor.u32 s20, s19;
	s25 =	sadd.s32 $0x1200, s26;
	[sflag:s18] =	ssyncset.done $0x0  }
0x1e: {  	s19 =	simm.s32 $0x2;
	s20 =	sadd.s32 s25, s28;
	[sflag:s18] =	ssyncadd.s32 $0xFFFFC000  }
0x1f: {  	[hbm4b:s20+s4] =	stream.linear.scatter [tilespmem:s9], [sflag:$0x2], $0x4000, $0x38;
	[tilespmem:$0x18400] =	vst v63  }
0x20: {  	_ =	swait.ge [sflag:s19], $0x4000  }
0x21: {  	[sflag:s19] =	ssyncset.done $0x0  }
0x22: {  	s21 =	simm.s32 $0x300;
	[sflag:s19] =	ssyncadd.s32 $0xFFFFC000  }
0x23: {  	[tilespmem:s9], [sflag:$0x1] =	stream.indirect.gather [hbm4b:s3+s8], $0x80, s21, s8, $0xb8;
	[tilespmem:$0x18400] =	vst v63  }
0x24: {  	_ =	swait.ge [sflag:s18], $0x4000  }
0x25: {  	s29 =	sor.u32 $0x800, s28;
	[sflag:s18] =	ssyncset.done $0x0  }
0x26: {  	s22 =	sadd.s32 s25, s29;
	[sflag:s18] =	ssyncadd.s32 $0xFFFFC000  }
0x27: {  	[hbm4b:s22+s4] =	stream.linear.scatter [tilespmem:s10], [sflag:$0x2], $0x4000, $0x38;
	[tilespmem:$0x18400] =	vst v63  }
0x28: {  	_ =	swait.ge [sflag:s19], $0x4000  }
0x29: {  	[sflag:s19] =	ssyncset.done $0x0  }
0x2a: {  	s23 =	simm.s32 $0x380;
	[sflag:s19] =	ssyncadd.s32 $0xFFFFC000  }
0x2b: {  	[tilespmem:s10], [sflag:$0x1] =	stream.indirect.gather [hbm4b:s3+s8], $0x80, s23, s8, $0xb8;
	[tilespmem:$0x18400] =	vst v63  }
0x2c: {  	_ =	swait.ge [sflag:s18], $0x4000  }
0x2d: {  	s30 =	sor.u32 $0x1000, s28;
	[sflag:s18] =	ssyncset.done $0x0  }
0x2e: {  	s24 =	sadd.s32 s25, s30;
	[sflag:s18] =	ssyncadd.s32 $0xFFFFC000  }
0x2f: {  	[hbm4b:s24+s4] =	stream.linear.scatter [tilespmem:s12], [sflag:$0x2], $0x4000, $0x38;
	[tilespmem:$0x18400] =	vst v63  }
0x30: {  	_ =	swait.ge [sflag:s18], $0x4000  }
0x31: {  	s0 =	sor.u32 $0x1800, s28;
	[sflag:s18] =	ssyncset.done $0x0  }
0x32: {  	s25 =	sadd.s32 s25, s0;
	[sflag:s18] =	ssyncadd.s32 $0xFFFFC000  }
0x33: {  	[hbm4b:s25+s4] =	stream.linear.scatter [tilespmem:s14], [sflag:$0x2], $0x4000, $0x38;
	[tilespmem:$0x18400] =	vst v63  }
0x34: {  	_ =	swait.ge [sflag:s18], $0x4000  }
0x35: {  	s1 =	sadd.s32 $0x41200, s26;
	[sflag:s18] =	ssyncset.done $0x0  }
0x36: {  	s26 =	sadd.s32 s1, s28;
	[sflag:s18] =	ssyncadd.s32 $0xFFFFC000  }
0x37: {  	[hbm4b:s26+s4] =	stream.linear.scatter [tilespmem:s15], [sflag:$0x2], $0x4000, $0x38;
	[tilespmem:$0x18400] =	vst v63  }
0x38: {  	_ =	swait.ge [sflag:s18], $0x4000  }
0x39: {  	[sflag:s18] =	ssyncset.done $0x0  }
0x3a: {  	s28 =	sadd.s32 s1, s29;
	[sflag:s18] =	ssyncadd.s32 $0xFFFFC000  }
0x3b: {  	[hbm4b:s28+s4] =	stream.linear.scatter [tilespmem:s17], [sflag:$0x2], $0x4000, $0x38;
	[tilespmem:$0x18400] =	vst v63  }
0x3c: {  	_ =	swait.ge [sflag:s18], $0x4000  }
0x3d: {  	[sflag:s18] =	ssyncset.done $0x0  }
0x3e: {  	s29 =	sadd.s32 s1, s30;
	[sflag:s18] =	ssyncadd.s32 $0xFFFFC000  }
0x3f: {  	[hbm4b:s29+s4] =	stream.linear.scatter [tilespmem:s9], [sflag:$0x2], $0x4000, $0x38;
	[tilespmem:$0x18400] =	vst v63  }
0x40: {  	_ =	swait.ge [sflag:s18], $0x4000  }
0x41: {  	[sflag:s18] =	ssyncset.done $0x0  }
0x42: {  	s30 =	sadd.s32 s1, s0;
	[sflag:s18] =	ssyncadd.s32 $0xFFFFC000  }
0x43: {  	[hbm4b:s30+s4] =	stream.linear.scatter [tilespmem:s10], [sflag:$0x2], $0x4000, $0x38;
	[tilespmem:$0x18400] =	vst v63  }
0x44: {  	_ =	swait.ge [sflag:s19], $0x4000  }
0x45: {  	[sflag:s19] =	ssyncset.done $0x0  }
0x46: {  	[sflag:s19] =	ssyncadd.s32 $0xFFFFC000  }
0x47: {  	_ =	swait.ge [sflag:s19], $0x4000  }
0x48: {  	[sflag:s19] =	ssyncset.done $0x0  }
0x49: {  	[sflag:s19] =	ssyncadd.s32 $0xFFFFC000  }
0x4a: {  	s0 =	ssub.s32 $0x2, s31;
	_ =	swait.ge [sflag:s19], $0x4000  }
0x4b: {  	s1 =	sshrl.u32 s0, $0x1;
	[sflag:s19] =	ssyncset.done $0x0  }
0x4c: {  	s0 =	ssub.s32 s0, s1;
	[sflag:s19] =	ssyncadd.s32 $0xFFFFC000  }
0x4d: {  	s0 =	smax.u32 s0, $0x1;
	_ =	swait.ge [sflag:s19], $0x4000  }
0x4e: {  	p0 =	sne.s32 s0, $0x1;
	[sflag:s19] =	ssyncset.done $0x0  }
.Ltmp0:
0x4f: {  	[sflag:s19] =	ssyncadd.s32 $0xFFFFC000;
	(pc) =	sbr.rel @!p0 .LBB2_2-.Ltmp0, $4  }
0x50: {  	_ =	swait.ge [sflag:s19], $0x4000  }
0x51: {  	[sflag:s19] =	ssyncset.done $0x0  }
0x52: {  	[sflag:s19] =	ssyncadd.s32 $0xFFFFC000  }
0x53: {  	s31 =	sadd.s32 $0xFFFFFFFF, s0;
	_ =	swait.ge [sflag:s19], $0x4000  }
.LBB2_1:
0x54: {  	[sflag:s19] =	ssyncset.done $0x0  }
0x55: {  	s0 =	rddreg [dreg:$0x6];
	[sflag:s19] =	ssyncadd.s32 $0xFFFFC000  }
0x56: {  	[tilespmem:s4], [sflag:$0x3] =	stream.linear.gather [hbm4b:s0+s4], $0x200, $0x38;
	[tilespmem:$0x18400] =	vst v63  }
0x57: {  	_ =	swait.ge [sflag:s5], $0x200  }
0x58: {  	[sflag:s5] =	ssyncset.done $0x0  }
0x59: {  	[sflag:s5] =	ssyncadd.s32 $0xFFFFFE00  }
0x5a: {  	[tilespmem:s7], [sflag:$0x3] =	stream.linear.gather [hbm4b:s6+s4], $0x200, $0x38;
	[tilespmem:$0x18400] =	vst v63  }
0x5b: {  	_ =	swait.ge [sflag:s5], $0x200  }
0x5c: {  	[sflag:s5] =	ssyncset.done $0x0  }
0x5d: {  	[sflag:s5] =	ssyncadd.s32 $0xFFFFFE00  }
0x5e: {  	[tilespmem:s9], [sflag:$0x1] =	stream.indirect.gather [hbm4b:s2+s8], $0x80, s4, s8, $0xb8;
	[tilespmem:$0x18400] =	vst v63  }
0x5f: {  	_ = 	snop  }
0x60: {  	[tilespmem:s10], [sflag:$0x1] =	stream.indirect.gather [hbm4b:s2+s8], $0x80, s8, s8, $0xb8;
	[tilespmem:$0x18400] =	vst v63  }
0x61: {  	_ = 	snop  }
0x62: {  	[tilespmem:s12], [sflag:$0x1] =	stream.indirect.gather [hbm4b:s2+s8], $0x80, s11, s8, $0xb8;
	[tilespmem:$0x18400] =	vst v63  }
0x63: {  	_ = 	snop  }
0x64: {  	[tilespmem:s14], [sflag:$0x1] =	stream.indirect.gather [hbm4b:s2+s8], $0x80, s13, s8, $0xb8;
	[tilespmem:$0x18400] =	vst v63  }
0x65: {  	_ = 	snop  }
0x66: {  	[tilespmem:s15], [sflag:$0x1] =	stream.indirect.gather [hbm4b:s3+s8], $0x80, s7, s8, $0xb8;
	[tilespmem:$0x18400] =	vst v63  }
0x67: {  	_ = 	snop  }
0x68: {  	[tilespmem:s17], [sflag:$0x1] =	stream.indirect.gather [hbm4b:s3+s8], $0x80, s16, s8, $0xb8;
	[tilespmem:$0x18400] =	vst v63  }
0x69: {  	_ =	swait.ge [sflag:s18], $0x4000  }
0x6a: {  	[sflag:s18] =	ssyncset.done $0x0  }
0x6b: {  	[sflag:s18] =	ssyncadd.s32 $0xFFFFC000  }
0x6c: {  	[hbm4b:s20+s4] =	stream.linear.scatter [tilespmem:s9], [sflag:$0x2], $0x4000, $0x38;
	[tilespmem:$0x18400] =	vst v63  }
0x6d: {  	_ =	swait.ge [sflag:s19], $0x4000  }
0x6e: {  	[sflag:s19] =	ssyncset.done $0x0  }
0x6f: {  	[sflag:s19] =	ssyncadd.s32 $0xFFFFC000  }
0x70: {  	[tilespmem:s9], [sflag:$0x1] =	stream.indirect.gather [hbm4b:s3+s8], $0x80, s21, s8, $0xb8;
	[tilespmem:$0x18400] =	vst v63  }
0x71: {  	_ =	swait.ge [sflag:s18], $0x4000  }
0x72: {  	[sflag:s18] =	ssyncset.done $0x0  }
0x73: {  	[sflag:s18] =	ssyncadd.s32 $0xFFFFC000  }
0x74: {  	[hbm4b:s22+s4] =	stream.linear.scatter [tilespmem:s10], [sflag:$0x2], $0x4000, $0x38;
	[tilespmem:$0x18400] =	vst v63  }
0x75: {  	_ =	swait.ge [sflag:s19], $0x4000  }
0x76: {  	[sflag:s19] =	ssyncset.done $0x0  }
0x77: {  	[sflag:s19] =	ssyncadd.s32 $0xFFFFC000  }
0x78: {  	[tilespmem:s10], [sflag:$0x1] =	stream.indirect.gather [hbm4b:s3+s8], $0x80, s23, s8, $0xb8;
	[tilespmem:$0x18400] =	vst v63  }
0x79: {  	_ =	swait.ge [sflag:s18], $0x4000  }
0x7a: {  	[sflag:s18] =	ssyncset.done $0x0  }
0x7b: {  	[sflag:s18] =	ssyncadd.s32 $0xFFFFC000  }
0x7c: {  	[hbm4b:s24+s4] =	stream.linear.scatter [tilespmem:s12], [sflag:$0x2], $0x4000, $0x38;
	[tilespmem:$0x18400] =	vst v63  }
0x7d: {  	_ =	swait.ge [sflag:s18], $0x4000  }
0x7e: {  	[sflag:s18] =	ssyncset.done $0x0  }
0x7f: {  	[sflag:s18] =	ssyncadd.s32 $0xFFFFC000  }
0x80: {  	[hbm4b:s25+s4] =	stream.linear.scatter [tilespmem:s14], [sflag:$0x2], $0x4000, $0x38;
	[tilespmem:$0x18400] =	vst v63  }
0x81: {  	_ =	swait.ge [sflag:s18], $0x4000  }
0x82: {  	[sflag:s18] =	ssyncset.done $0x0  }
0x83: {  	[sflag:s18] =	ssyncadd.s32 $0xFFFFC000  }
0x84: {  	[hbm4b:s26+s4] =	stream.linear.scatter [tilespmem:s15], [sflag:$0x2], $0x4000, $0x38;
	[tilespmem:$0x18400] =	vst v63  }
0x85: {  	_ =	swait.ge [sflag:s18], $0x4000  }
0x86: {  	[sflag:s18] =	ssyncset.done $0x0  }
0x87: {  	[sflag:s18] =	ssyncadd.s32 $0xFFFFC000  }
0x88: {  	[hbm4b:s28+s4] =	stream.linear.scatter [tilespmem:s17], [sflag:$0x2], $0x4000, $0x38;
	[tilespmem:$0x18400] =	vst v63  }
0x89: {  	_ =	swait.ge [sflag:s18], $0x4000  }
0x8a: {  	[sflag:s18] =	ssyncset.done $0x0  }
0x8b: {  	[sflag:s18] =	ssyncadd.s32 $0xFFFFC000  }
0x8c: {  	[hbm4b:s29+s4] =	stream.linear.scatter [tilespmem:s9], [sflag:$0x2], $0x4000, $0x38;
	[tilespmem:$0x18400] =	vst v63  }
0x8d: {  	_ =	swait.ge [sflag:s18], $0x4000  }
0x8e: {  	[sflag:s18] =	ssyncset.done $0x0  }
0x8f: {  	[sflag:s18] =	ssyncadd.s32 $0xFFFFC000  }
0x90: {  	[hbm4b:s30+s4] =	stream.linear.scatter [tilespmem:s10], [sflag:$0x2], $0x4000, $0x38;
	[tilespmem:$0x18400] =	vst v63  }
0x91: {  	_ =	swait.ge [sflag:s19], $0x4000  }
0x92: {  	[sflag:s19] =	ssyncset.done $0x0  }
0x93: {  	[sflag:s19] =	ssyncadd.s32 $0xFFFFC000  }
0x94: {  	_ =	swait.ge [sflag:s19], $0x4000  }
0x95: {  	[sflag:s19] =	ssyncset.done $0x0  }
0x96: {  	[sflag:s19] =	ssyncadd.s32 $0xFFFFC000  }
0x97: {  	_ =	swait.ge [sflag:s19], $0x4000  }
0x98: {  	[sflag:s19] =	ssyncset.done $0x0  }
0x99: {  	[sflag:s19] =	ssyncadd.s32 $0xFFFFC000  }
0x9a: {  	_ =	swait.ge [sflag:s19], $0x4000  }
0x9b: {  	p0 =	sne.s32 s31, $0x1;
	[sflag:s19] =	ssyncset.done $0x0  }
.Ltmp1:
0x9c: {  	[sflag:s19] =	ssyncadd.s32 $0xFFFFC000;
	(pc) =	sbr.rel @p0 .LBB2_1-.Ltmp1, $4  }
0x9d: {  	_ =	swait.ge [sflag:s19], $0x4000  }
0x9e: {  	[sflag:s19] =	ssyncset.done $0x0  }
0x9f: {  	[sflag:s19] =	ssyncadd.s32 $0xFFFFC000  }
0xa0: {  	s31 =	sadd.s32 $0xFFFFFFFF, s31;
	_ =	swait.ge [sflag:s19], $0x4000  }
.LBB2_2:
0xa1: {  	[sflag:s19] =	ssyncset.done $0x0  }
0xa2: {  	[sflag:s19] =	ssyncadd.s32 $0xFFFFC000  }
0xa3: {  	_ =	sfence.sel $0x180000  }
0xa4: {  	[bflag:$0x0] =	sbarrier.arrive $0xFFFF  }
0xa5: {  	_ =	strace $0x90000047  }
0xa6: {  	s0 =	stileid.u32;
	[bflag:$0x2] =	sbarrier.arrive $0xFFFF  }
0xa7: {  	p0 =	sne.s32 s0, $0x0;
	s0 =	rddreg [dreg:$0x5]  }
0xa8: {  	s0 =	sadd.s32 @!p0 $0x100000, s0  }
0xa9: {  	[sflag:s0] =	ssyncadd.tile.s32 @!p0 $0x1;
	_ =	shalt  }
.Lfunc_end2:
_tile_overlayer_lowered:
.L_overlay_start_2:
0xaa: {  	(tag) =	ssettag $0x2  }
0xab: {  	s0 =	rddreg [dreg:$0x0];
	s2 =	stileid.u32  }
0xac: {  	s1 =	rddreg [dreg:$0x1];
	p0 =	sne.s32 s2, $0x0  }
0xad: {  	s3 =	rddreg [dreg:$0x2];
	[bflag:$0x3] =	sbarrier.arrive $0xFFFF;
	s2 =	simm.s32 @!p0 $0x1C03  }
0xae: {  	[timem:s3], [sflag:s2] =	dma.local @!p0 [hbm:s0], s1  }
0xaf: {  	s0 =	simm.s32 @!p0 $0x3  }
0xb0: {  	_ =	swait.ge @!p0 [sflag:s0], s1  }
0xb1: {  	s1 =	ssub.s32 @!p0 $0x0, s1;
	[sflag:s0] =	ssyncset.done @!p0 $0x0  }
0xb2: {  	[sflag:s0] =	ssyncadd.s32 @!p0 s1  }
0xb3: {  	[bflag:$0x3] =	sbarrier.arrive $0xFFFF  }
0xb4: {  	_ =	shalt  }

</sc_bundles>
